<compile_context>
chip_gen: v7x
topology: tpu7x:2x2x1
jax: 0.10.2.dev20260603
libtpu: 0.0.44.dev20260713+nightly
codegen_flags: <defaults>
</compile_context>

<pallas_src>
import functools

import jax
import jax.numpy as jnp
from jax import lax
from jax.experimental import pallas as pl
from jax.experimental.pallas import tpu as pltpu
from jax.experimental.pallas import tpu_sc as plsc

_PART_FRACS = (0.4, 0.3, 0.3)
_F32_ONE_BITS = 0x3F800000


def _part_bounds(h):
    bounds = []
    start = 0
    for f in _PART_FRACS:
        end = min(start + int(h * f), h)
        bounds.append((start, end))
        start = end
    return bounds


def _pool_body(x_ref, out_ref, *, bounds, w, hw):
    xb = x_ref[0]
    e = lax.broadcasted_iota(jnp.int32, (4, hw), 1)
    row = e // w
    s = lax.broadcasted_iota(jnp.int32, (4, hw), 0)
    m = (s == 3) & (row >= bounds[2][1])
    for i, (lo, hi) in enumerate(bounds):
        m = m | ((s == i) & (row >= lo) & (row < hi))
    mask = m.astype(jnp.float32)
    out_ref[0] = lax.dot_general(
        mask, xb, (((1,), (0,)), ((), ())),
        precision=lax.Precision.HIGHEST, preferred_element_type=jnp.float32)


def _att_body(sums_ref, W1_ref, b1_ref, W2_ref, b2_ref, Wp_ref, bp_ref,
              G1_ref, g1_ref, G2_ref, g2_ref, fa_ref, pw_ref, k_ref,
              *, bounds, h, w):
    c = fa_ref.shape[1]
    sums = sums_ref[...]
    gp = ((sums[:, 0, :] + sums[:, 1, :] + sums[:, 2, :] + sums[:, 3, :])
          * (1.0 / (h * w)))

    def dot_t(a, b):
        return lax.dot_general(a, b, (((1,), (1,)), ((), ())),
                               precision=lax.Precision.DEFAULT,
                               preferred_element_type=jnp.float32)

    atts = []
    for i, (lo, hi) in enumerate(bounds):
        pooled = sums[:, i, :] * (1.0 / ((hi - lo) * w))
        hdn = jax.nn.relu(dot_t(pooled, W1_ref[i]) + b1_ref[i:i + 1, :])
        atts.append(jax.nn.sigmoid(dot_t(hdn, W2_ref[i]) + b2_ref[i:i + 1, :]))

    logits = dot_t(gp, Wp_ref[...]) + bp_ref[...]
    mx = jnp.max(logits, axis=1, keepdims=True)
    ex = jnp.exp(logits - mx)
    pw = ex / jnp.sum(ex, axis=1, keepdims=True)

    fused = (pw[:, 0:1] * atts[0] + pw[:, 1:2] * atts[1]
             + pw[:, 2:3] * atts[2])

    hg = jax.nn.relu(dot_t(gp, G1_ref[...]) + g1_ref[...])
    sp_logit = jnp.sum(hg * G2_ref[...], axis=1, keepdims=True)
    sp = jax.nn.sigmoid(sp_logit + g2_ref[...])
    k = jnp.clip((sp * c).astype(jnp.int32), 1, c)

    fa_ref[...] = lax.bitcast_convert_type(fused, jnp.int32)
    pw_ref[...] = pw
    k_ref[...] = k


def _topk_sc_body(fused_hbm, k_hbm, fa_hbm, row_v, out_v, k_v, *, c, rows):
    nchunk = c // 16
    wid = lax.axis_index("s") * 2 + lax.axis_index("c")
    pltpu.sync_copy(k_hbm, k_v)

    UN = 8

    def count_gt(t):
        tv = jnp.full((16,), t, jnp.int32)

        def cbody(i, acc):
            for u in range(UN):
                bb = row_v[0, pl.ds((i * UN + u) * 16, 16)]
                acc = acc + (bb > tv).astype(jnp.int32)
            return acc

        perlane = lax.fori_loop(0, nchunk // UN, cbody,
                                jnp.zeros((16,), jnp.int32))
        return jnp.sum(perlane)

    def row_min_max():
        def mb(i, carry):
            mn, mx = carry
            for u in range(UN):
                bb = row_v[0, pl.ds((i * UN + u) * 16, 16)]
                mn = jnp.minimum(mn, bb)
                mx = jnp.maximum(mx, bb)
            return mn, mx

        mn, mx = lax.fori_loop(
            0, nchunk // UN, mb,
            (jnp.full((16,), _F32_ONE_BITS, jnp.int32),
             jnp.zeros((16,), jnp.int32)))
        return jnp.min(mn), jnp.max(mx)

    for j in range(rows):
        r = wid * rows + j
        pltpu.sync_copy(fused_hbm.at[pl.ds(r, 1)], row_v)
        base = (r // 16) * 16
        kvec = k_v[pl.ds(base, 16)]
        lane = lax.broadcasted_iota(jnp.int32, (16,), 0)
        kk = jnp.sum(jnp.where(lane == jnp.full((16,), r - base, jnp.int32),
                               kvec, 0))

        def vcond(carry):
            lo, hi = carry
            return lo < hi

        def vbody(carry):
            lo, hi = carry
            mid = lax.shift_right_logical(lo + hi, 1)
            pred = count_gt(mid) < kk
            return (jnp.where(pred, lo, mid + 1),
                    jnp.where(pred, mid, hi))

        mn, mx = row_min_max()
        lo, hi = lax.while_loop(vcond, vbody, (mn, mx))
        t = lo
        m = kk - count_gt(t)
        tv = jnp.full((16,), t, jnp.int32)
        mv = jnp.full((16,), m, jnp.int32)

        def wbody(i, tacc):
            bb = row_v[0, pl.ds(i * 16, 16)]
            eq = bb == tv
            eqi = eq.astype(jnp.int32)
            before = plsc.cumsum(eqi) - eqi
            sel = (bb > tv) | (eq & ((before + jnp.full((16,), tacc,
                                                        jnp.int32)) < mv))
            out_v[0, pl.ds(i * 16, 16)] = jnp.where(sel, bb, 0)
            return tacc + jnp.sum(eqi)

        lax.fori_loop(0, nchunk, wbody, jnp.int32(0))
        pltpu.sync_copy(out_v, fa_hbm.at[pl.ds(r, 1)])


def _apply_body(x_ref, fa_ref, out1_ref, out2_ref):
    xb = x_ref[0]
    f = fa_ref[0]
    o1 = xb * f
    out1_ref[0] = o1
    out2_ref[0] = xb - o1


def kernel(x, W1, b1, W2, b2, Wp, bp, G1, g1, G2, g2):
    b, c, h, w = x.shape
    hw = h * w
    bounds = _part_bounds(h)
    xcl = x.transpose(0, 2, 3, 1).reshape(b, hw, c)

    sums = pl.pallas_call(
        functools.partial(_pool_body, bounds=bounds, w=w, hw=hw),
        grid=(b,),
        in_specs=[pl.BlockSpec((1, hw, c), lambda i: (i, 0, 0))],
        out_specs=pl.BlockSpec((1, 4, c), lambda i: (i, 0, 0)),
        out_shape=jax.ShapeDtypeStruct((b, 4, c), jnp.float32),
    )(xcl)

    fused_bits, pw, k = pl.pallas_call(
        functools.partial(_att_body, bounds=bounds, h=h, w=w),
        out_shape=(
            jax.ShapeDtypeStruct((b, c), jnp.int32),
            jax.ShapeDtypeStruct((b, 3), jnp.float32),
            jax.ShapeDtypeStruct((b, 1), jnp.int32),
        ),
    )(sums, W1, b1, W2, b2, Wp, bp.reshape(1, 3), G1,
      g1.reshape(1, -1), G2, jnp.broadcast_to(g2.reshape(1, 1), (b, 1)))

    mesh = plsc.VectorSubcoreMesh(core_axis_name="c", subcore_axis_name="s")
    rows_per_worker = b // 32
    fa_bits = pl.kernel(
        functools.partial(_topk_sc_body, c=c, rows=rows_per_worker),
        mesh=mesh,
        out_type=jax.ShapeDtypeStruct((b, c), jnp.int32),
        scratch_types=[
            pltpu.VMEM((1, c), jnp.int32),
            pltpu.VMEM((1, c), jnp.int32),
            pltpu.VMEM((b,), jnp.int32),
        ],
        compiler_params=pltpu.CompilerParams(needs_layout_passes=False),
    )(fused_bits, k.reshape(b))
    fa = lax.bitcast_convert_type(fa_bits, jnp.float32)

    out1, out2 = pl.pallas_call(
        _apply_body,
        grid=(b,),
        in_specs=[
            pl.BlockSpec((1, hw, c), lambda i: (i, 0, 0)),
            pl.BlockSpec((1, 1, c), lambda i: (i, 0, 0)),
        ],
        out_specs=[
            pl.BlockSpec((1, hw, c), lambda i: (i, 0, 0)),
            pl.BlockSpec((1, hw, c), lambda i: (i, 0, 0)),
        ],
        out_shape=(
            jax.ShapeDtypeStruct((b, hw, c), jnp.float32),
            jax.ShapeDtypeStruct((b, hw, c), jnp.float32),
        ),
    )(xcl, fa.reshape(b, 1, c))

    def back(o):
        return o.reshape(b, h, w, c).transpose(0, 3, 1, 2)

    return back(out1), back(out2), pw.reshape(b, 3, 1, 1)

# --- scband reference (transcript-rebuilt; emitter-appended) ---
"""Pipeline reference for scband-rasca-36292473651431 (READ-ONLY COPY).

The authoritative reference and input builder live on the scoring server;
editing this copy changes nothing except your own understanding.
"""

import jax, jax.numpy as jnp
import numpy as np

PART_HEIGHTS = [0.4, 0.3, 0.3]

def setup_inputs(seed: int = 0) -> dict:
    key = jax.random.key(seed)
    ks = jax.random.split(key, 8)
    b, c, h, w = 64, 2048, 24, 8
    r = c // 16
    x = jax.random.normal(ks[0], (b, c, h, w), dtype=jnp.float32)
    W1 = jax.random.normal(ks[1], (3, r, c), dtype=jnp.float32) * 0.02
    b1 = jnp.zeros((3, r), dtype=jnp.float32)
    W2 = jax.random.normal(ks[2], (3, c, r), dtype=jnp.float32) * 0.02
    b2 = jnp.zeros((3, c), dtype=jnp.float32)
    Wp = jax.random.normal(ks[3], (3, c), dtype=jnp.float32) * 0.02
    bp = jnp.zeros((3,), dtype=jnp.float32)
    G1 = jax.random.normal(ks[4], (r, c), dtype=jnp.float32) * 0.02
    g1 = jnp.zeros((r,), dtype=jnp.float32)
    G2 = jax.random.normal(ks[5], (1, r), dtype=jnp.float32) * 0.02
    g2 = jnp.zeros((1,), dtype=jnp.float32)
    return dict(x=x, W1=W1, b1=b1, W2=W2, b2=b2, Wp=Wp, bp=bp, G1=G1, g1=g1, G2=G2, g2=g2)

def reference(x, W1, b1, W2, b2, Wp, bp, G1, g1, G2, g2):
    b, c, h, w = x.shape
    num_parts = 3
    # part-wise channel attentions (AdaptiveAvgPool2d(1) + 1x1 convs == mean + linear)
    atts = []
    start_h = 0
    for i in range(num_parts):
        part_h = int(h * PART_HEIGHTS[i])
        end_h = min(start_h + part_h, h)
        pf = x[:, :, start_h:end_h, :]
        pooled = pf.mean(axis=(2, 3))  # [b, c]  (mean over dim=2 then global avg pool)
        hdn = jax.nn.relu(pooled @ W1[i].T + b1[i])
        att = jax.nn.sigmoid(hdn @ W2[i].T + b2[i])  # [b, c]
        atts.append(att)
        start_h = end_h
    # part weights: global avg pool -> 1x1 conv -> softmax over parts
    gp = x.mean(axis=(2, 3))  # [b, c]
    pw = jax.nn.softmax(gp @ Wp.T + bp, axis=1)  # [b, 3]
    # fuse
    fused = jnp.zeros_like(atts[0])
    for i in range(num_parts):
        fused = fused + pw[:, i:i + 1] * atts[i]  # [b, c]
    # sparsity gate -> per-sample k -> top-k channel mask
    sp = jax.nn.sigmoid(jax.nn.relu(gp @ G1.T + g1) @ G2.T + g2)  # [b, 1]
    k = jnp.clip((sp[:, 0] * c).astype(jnp.int32), 1, c)  # [b]
    order = jnp.argsort(-fused, axis=1)          # descending order indices
    ranks = jnp.argsort(order, axis=1)           # rank of each channel (0 = largest)
    mask = (ranks < k[:, None]).astype(x.dtype)  # per-sample top-k mask
    fused_m = fused * mask
    fa = fused_m[:, :, None, None]
    return (x * fa, x - x * fa, pw[:, :, None, None])

if __name__ == "__main__":
    import jax
    _d = setup_inputs()
    print(jax.jit(kernel)(*tuple(_d.values())))

</pallas_src>

<mosaic_0001>
#map = affine_map<(d0, d1) -> (0, 0)>
#map1 = affine_map<(d0, d1) -> (0)>
module attributes {stable_mosaic.version = 14 : i64} {
  func.func @_topk_sc_body(%arg0: i32, %arg1: i32, %arg2: memref<64x2048xi32, #tpu.memory_space<hbm>>, %arg3: memref<64xi32, #tpu.memory_space<hbm>>, %arg4: memref<64x2048xi32, #tpu.memory_space<hbm>>, %arg5: memref<1x2048xi32, #tpu.memory_space<vmem>>, %arg6: memref<1x2048xi32, #tpu.memory_space<vmem>>, %arg7: memref<64xi32, #tpu.memory_space<vmem>>) attributes {dimension_semantics = [#tpu.dimension_semantics<core_parallel>, #tpu.dimension_semantics<subcore_parallel>], iteration_bounds = array<i64: 2, 16>, scalar_prefetch = 0 : i64, scratch_operands = 3 : i64, tpu.core_type = #tpu.core_type<sc_vector_subcore>, window_params = [{transform_indices = #map}, {transform_indices = #map1}, {transform_indices = #map}]} {
    %mul3A = arith.constant 2 : i32
    %mul3A_0 = arith.muli %arg1, %mul3A : i32
    %add3A = arith.addi %mul3A_0, %arg0 : i32
    "tpu.region"() ({
      %run_scoped3A = tpu.sem_alloc : memref<!tpu.dma_semaphore, #tpu.memory_space<semaphore_mem>>
      tpu.enqueue_dma source(%arg3 : memref<64xi32, #tpu.memory_space<hbm>>) target(%arg7 : memref<64xi32, #tpu.memory_space<vmem>>) target_semaphore(%run_scoped3A : memref<!tpu.dma_semaphore, #tpu.memory_space<semaphore_mem>>)
      tpu.wait_dma2 semaphore(%run_scoped3A : memref<!tpu.dma_semaphore, #tpu.memory_space<semaphore_mem>>) src(%arg3 : memref<64xi32, #tpu.memory_space<hbm>>) dst(%arg7 : memref<64xi32, #tpu.memory_space<vmem>>)
      tpu.yield
    }) : () -> ()
    %mul3A_1 = arith.constant 2 : i32
    %mul3A_2 = arith.muli %add3A, %mul3A_1 : i32
    %add3A_3 = arith.constant 0 : i32
    %add3A_4 = arith.addi %mul3A_2, %add3A_3 : i32
    "tpu.region"() ({
      %run_scoped3A = tpu.sem_alloc : memref<!tpu.dma_semaphore, #tpu.memory_space<semaphore_mem>>
      %dma_start3A = arith.constant 0 : i32
      %dma_start3A_170 = tpu.memref_slice %arg2[%add3A_4, %dma_start3A] : memref<64x2048xi32, #tpu.memory_space<hbm>> -> memref<1x2048xi32, #tpu.memory_space<hbm>>
      %dma_start3A_171 = arith.constant 0 : i32
      %dma_start3A_172 = tpu.memref_slice %arg2[%add3A_4, %dma_start3A_171] : memref<64x2048xi32, #tpu.memory_space<hbm>> -> memref<1x2048xi32, #tpu.memory_space<hbm>>
      tpu.enqueue_dma source(%dma_start3A_172 : memref<1x2048xi32, #tpu.memory_space<hbm>>) target(%arg5 : memref<1x2048xi32, #tpu.memory_space<vmem>>) target_semaphore(%run_scoped3A : memref<!tpu.dma_semaphore, #tpu.memory_space<semaphore_mem>>)
      %dma_wait3A = arith.constant 0 : i32
      %dma_wait3A_173 = tpu.memref_slice %arg2[%add3A_4, %dma_wait3A] : memref<64x2048xi32, #tpu.memory_space<hbm>> -> memref<1x2048xi32, #tpu.memory_space<hbm>>
      %dma_wait3A_174 = arith.constant 0 : i32
      %dma_wait3A_175 = tpu.memref_slice %arg2[%add3A_4, %dma_wait3A_174] : memref<64x2048xi32, #tpu.memory_space<hbm>> -> memref<1x2048xi32, #tpu.memory_space<hbm>>
      tpu.wait_dma2 semaphore(%run_scoped3A : memref<!tpu.dma_semaphore, #tpu.memory_space<semaphore_mem>>) src(%dma_wait3A_175 : memref<1x2048xi32, #tpu.memory_space<hbm>>) dst(%arg5 : memref<1x2048xi32, #tpu.memory_space<vmem>>)
      tpu.yield
    }) : () -> ()
    %jit3A = arith.constant 16 : i32
    %div3A = arith.divsi %add3A_4, %jit3A : i32
    %sign3A = arith.constant 0 : i32
    %sign3A_5 = arith.cmpi sgt, %add3A_4, %sign3A : i32
    %sign3A_6 = arith.extui %sign3A_5 : i1 to i32
    %sign3A_7 = arith.constant 0 : i32
    %sign3A_8 = arith.cmpi slt, %add3A_4, %sign3A_7 : i32
    %sign3A_9 = arith.extui %sign3A_8 : i1 to i32
    %sign3A_10 = arith.subi %sign3A_6, %sign3A_9 : i32
    %sign3A_11 = arith.constant 0 : i32
    %sign3A_12 = arith.cmpi sgt, %jit3A, %sign3A_11 : i32
    %sign3A_13 = arith.extui %sign3A_12 : i1 to i32
    %sign3A_14 = arith.constant 0 : i32
    %sign3A_15 = arith.cmpi slt, %jit3A, %sign3A_14 : i32
    %sign3A_16 = arith.extui %sign3A_15 : i1 to i32
    %sign3A_17 = arith.subi %sign3A_13, %sign3A_16 : i32
    %ne3A = arith.cmpi ne, %sign3A_10, %sign3A_17 : i32
    %rem3A = arith.remsi %add3A_4, %jit3A : i32
    %ne3A_18 = arith.constant 0 : i32
    %ne3A_19 = arith.cmpi ne, %rem3A, %ne3A_18 : i32
    %and3A = arith.andi %ne3A, %ne3A_19 : i1
    %sub3A = arith.constant 1 : i32
    %sub3A_20 = arith.subi %div3A, %sub3A : i32
    %select_n3A = arith.select %and3A, %sub3A_20, %div3A : i32
    %mul3A_21 = arith.constant 16 : i32
    %mul3A_22 = arith.muli %select_n3A, %mul3A_21 : i32
    %get3A = arith.index_cast %mul3A_22 : i32 to index
    %get3A_23 = tpu.vector_load %arg7[%get3A] {strides = array<i32>} : memref<64xi32, #tpu.memory_space<vmem>>, vector<16xi32>,
    %iota3A = tpu.iota {dimensions = array<i32: 0>} : vector<16xi32>
    %sub3A_24 = arith.subi %add3A_4, %mul3A_22 : i32
    %broadcast_in_dim3A = vector.broadcast %sub3A_24 : i32 to vector<16xi32>
    %eq3A = arith.cmpi eq, %iota3A, %broadcast_in_dim3A : vector<16xi32>
    %jit3A_25 = arith.constant 0 : i32
    %broadcast_in_dim3A_26 = vector.broadcast %jit3A_25 : i32 to vector<16xi32>
    %select_n3A_27 = arith.select %eq3A, %get3A_23, %broadcast_in_dim3A_26 : vector<16xi1>, vector<16xi32>
    %reduce_sum3A = arith.constant true
    %reduce_sum3A_28 = vector.broadcast %reduce_sum3A : i1 to vector<16xi1>
    %reduce_sum3A_29 = tpu.scan <sum>, %select_n3A_27 masked %reduce_sum3A_28 : vector<16xi32>, vector<16xi1> -> vector<16xi32>
    %reduce_sum3A_30 = vector.extract %reduce_sum3A_29[15] : i32 from vector<16xi32>
    %broadcast_in_dim3A_31 = arith.constant 1065353216 : i32
    %broadcast_in_dim3A_32 = vector.broadcast %broadcast_in_dim3A_31 : i32 to vector<16xi32>
    %broadcast_in_dim3A_33 = arith.constant 0 : i32
    %broadcast_in_dim3A_34 = vector.broadcast %broadcast_in_dim3A_33 : i32 to vector<16xi32>
    %scan3A = arith.constant 0 : i32
    %scan3A_35 = arith.constant 16 : i32
    %scan3A_36 = arith.addi %scan3A, %scan3A_35 : i32
    %scan3A_37 = arith.constant 1 : i32
    %scan3A_38:2 = scf.for %scan3A_170 = %scan3A to %scan3A_36 step %scan3A_37 iter_args(%scan3A_171 = %broadcast_in_dim3A_32, %scan3A_172 = %broadcast_in_dim3A_34) -> (vector<16xi32>, vector<16xi32>)  : i32 {
      %mul3A_173 = arith.constant 8 : i32
      %mul3A_174 = arith.muli %scan3A_170, %mul3A_173 : i32
      %add3A_175 = arith.constant 0 : i32
      %add3A_176 = arith.addi %mul3A_174, %add3A_175 : i32
      %mul3A_177 = arith.constant 16 : i32
      %mul3A_178 = arith.muli %add3A_176, %mul3A_177 : i32
      %get3A_179 = arith.constant 0 : i32
      %get3A_180 = arith.index_cast %get3A_179 : i32 to index
      %get3A_181 = arith.index_cast %mul3A_178 : i32 to index
      %get3A_182 = tpu.vector_load %arg5[%get3A_180, %get3A_181] {strides = array<i32>} : memref<1x2048xi32, #tpu.memory_space<vmem>>, vector<16xi32>,
      %min3A = arith.minsi %scan3A_171, %get3A_182 : vector<16xi32>
      %max3A = arith.maxsi %scan3A_172, %get3A_182 : vector<16xi32>
      %mul3A_183 = arith.constant 8 : i32
      %mul3A_184 = arith.muli %scan3A_170, %mul3A_183 : i32
      %add3A_185 = arith.constant 1 : i32
      %add3A_186 = arith.addi %mul3A_184, %add3A_185 : i32
      %mul3A_187 = arith.constant 16 : i32
      %mul3A_188 = arith.muli %add3A_186, %mul3A_187 : i32
      %get3A_189 = arith.constant 0 : i32
      %get3A_190 = arith.index_cast %get3A_189 : i32 to index
      %get3A_191 = arith.index_cast %mul3A_188 : i32 to index
      %get3A_192 = tpu.vector_load %arg5[%get3A_190, %get3A_191] {strides = array<i32>} : memref<1x2048xi32, #tpu.memory_space<vmem>>, vector<16xi32>,
      %min3A_193 = arith.minsi %min3A, %get3A_192 : vector<16xi32>
      %max3A_194 = arith.maxsi %max3A, %get3A_192 : vector<16xi32>
      %mul3A_195 = arith.constant 8 : i32
      %mul3A_196 = arith.muli %scan3A_170, %mul3A_195 : i32
      %add3A_197 = arith.constant 2 : i32
      %add3A_198 = arith.addi %mul3A_196, %add3A_197 : i32
      %mul3A_199 = arith.constant 16 : i32
      %mul3A_200 = arith.muli %add3A_198, %mul3A_199 : i32
      %get3A_201 = arith.constant 0 : i32
      %get3A_202 = arith.index_cast %get3A_201 : i32 to index
      %get3A_203 = arith.index_cast %mul3A_200 : i32 to index
      %get3A_204 = tpu.vector_load %arg5[%get3A_202, %get3A_203] {strides = array<i32>} : memref<1x2048xi32, #tpu.memory_space<vmem>>, vector<16xi32>,
      %min3A_205 = arith.minsi %min3A_193, %get3A_204 : vector<16xi32>
      %max3A_206 = arith.maxsi %max3A_194, %get3A_204 : vector<16xi32>
      %mul3A_207 = arith.constant 8 : i32
      %mul3A_208 = arith.muli %scan3A_170, %mul3A_207 : i32
      %add3A_209 = arith.constant 3 : i32
      %add3A_210 = arith.addi %mul3A_208, %add3A_209 : i32
      %mul3A_211 = arith.constant 16 : i32
      %mul3A_212 = arith.muli %add3A_210, %mul3A_211 : i32
      %get3A_213 = arith.constant 0 : i32
      %get3A_214 = arith.index_cast %get3A_213 : i32 to index
      %get3A_215 = arith.index_cast %mul3A_212 : i32 to index
      %get3A_216 = tpu.vector_load %arg5[%get3A_214, %get3A_215] {strides = array<i32>} : memref<1x2048xi32, #tpu.memory_space<vmem>>, vector<16xi32>,
      %min3A_217 = arith.minsi %min3A_205, %get3A_216 : vector<16xi32>
      %max3A_218 = arith.maxsi %max3A_206, %get3A_216 : vector<16xi32>
      %mul3A_219 = arith.constant 8 : i32
      %mul3A_220 = arith.muli %scan3A_170, %mul3A_219 : i32
      %add3A_221 = arith.constant 4 : i32
      %add3A_222 = arith.addi %mul3A_220, %add3A_221 : i32
      %mul3A_223 = arith.constant 16 : i32
      %mul3A_224 = arith.muli %add3A_222, %mul3A_223 : i32
      %get3A_225 = arith.constant 0 : i32
      %get3A_226 = arith.index_cast %get3A_225 : i32 to index
      %get3A_227 = arith.index_cast %mul3A_224 : i32 to index
      %get3A_228 = tpu.vector_load %arg5[%get3A_226, %get3A_227] {strides = array<i32>} : memref<1x2048xi32, #tpu.memory_space<vmem>>, vector<16xi32>,
      %min3A_229 = arith.minsi %min3A_217, %get3A_228 : vector<16xi32>
      %max3A_230 = arith.maxsi %max3A_218, %get3A_228 : vector<16xi32>
      %mul3A_231 = arith.constant 8 : i32
      %mul3A_232 = arith.muli %scan3A_170, %mul3A_231 : i32
      %add3A_233 = arith.constant 5 : i32
      %add3A_234 = arith.addi %mul3A_232, %add3A_233 : i32
      %mul3A_235 = arith.constant 16 : i32
      %mul3A_236 = arith.muli %add3A_234, %mul3A_235 : i32
      %get3A_237 = arith.constant 0 : i32
      %get3A_238 = arith.index_cast %get3A_237 : i32 to index
      %get3A_239 = arith.index_cast %mul3A_236 : i32 to index
      %get3A_240 = tpu.vector_load %arg5[%get3A_238, %get3A_239] {strides = array<i32>} : memref<1x2048xi32, #tpu.memory_space<vmem>>, vector<16xi32>,
      %min3A_241 = arith.minsi %min3A_229, %get3A_240 : vector<16xi32>
      %max3A_242 = arith.maxsi %max3A_230, %get3A_240 : vector<16xi32>
      %mul3A_243 = arith.constant 8 : i32
      %mul3A_244 = arith.muli %scan3A_170, %mul3A_243 : i32
      %add3A_245 = arith.constant 6 : i32
      %add3A_246 = arith.addi %mul3A_244, %add3A_245 : i32
      %mul3A_247 = arith.constant 16 : i32
      %mul3A_248 = arith.muli %add3A_246, %mul3A_247 : i32
      %get3A_249 = arith.constant 0 : i32
      %get3A_250 = arith.index_cast %get3A_249 : i32 to index
      %get3A_251 = arith.index_cast %mul3A_248 : i32 to index
      %get3A_252 = tpu.vector_load %arg5[%get3A_250, %get3A_251] {strides = array<i32>} : memref<1x2048xi32, #tpu.memory_space<vmem>>, vector<16xi32>,
      %min3A_253 = arith.minsi %min3A_241, %get3A_252 : vector<16xi32>
      %max3A_254 = arith.maxsi %max3A_242, %get3A_252 : vector<16xi32>
      %mul3A_255 = arith.constant 8 : i32
      %mul3A_256 = arith.muli %scan3A_170, %mul3A_255 : i32
      %add3A_257 = arith.constant 7 : i32
      %add3A_258 = arith.addi %mul3A_256, %add3A_257 : i32
      %mul3A_259 = arith.constant 16 : i32
      %mul3A_260 = arith.muli %add3A_258, %mul3A_259 : i32
      %get3A_261 = arith.constant 0 : i32
      %get3A_262 = arith.index_cast %get3A_261 : i32 to index
      %get3A_263 = arith.index_cast %mul3A_260 : i32 to index
      %get3A_264 = tpu.vector_load %arg5[%get3A_262, %get3A_263] {strides = array<i32>} : memref<1x2048xi32, #tpu.memory_space<vmem>>, vector<16xi32>,
      %min3A_265 = arith.minsi %min3A_253, %get3A_264 : vector<16xi32>
      %max3A_266 = arith.maxsi %max3A_254, %get3A_264 : vector<16xi32>
      scf.yield %min3A_265, %max3A_266 : vector<16xi32>, vector<16xi32>
    }
    %scan3A_39 = arith.constant 16 : i32
    %reduce_min3A = arith.constant true
    %reduce_min3A_40 = vector.broadcast %reduce_min3A : i1 to vector<16xi1>
    %reduce_min3A_41 = arith.constant -2147483648 : i32
    %reduce_min3A_42 = vector.broadcast %reduce_min3A_41 : i32 to vector<16xi32>
    %reduce_min3A_43 = arith.xori %scan3A_38#0, %reduce_min3A_42 : vector<16xi32>
    %reduce_min3A_44 = tpu.scan <min>, %reduce_min3A_43 masked %reduce_min3A_40 : vector<16xi32>, vector<16xi1> -> vector<16xi32>
    %reduce_min3A_45 = arith.xori %reduce_min3A_44, %reduce_min3A_42 : vector<16xi32>
    %reduce_min3A_46 = vector.extract %reduce_min3A_45[15] : i32 from vector<16xi32>
    %reduce_max3A = arith.constant true
    %reduce_max3A_47 = vector.broadcast %reduce_max3A : i1 to vector<16xi1>
    %reduce_max3A_48 = arith.constant -2147483648 : i32
    %reduce_max3A_49 = vector.broadcast %reduce_max3A_48 : i32 to vector<16xi32>
    %reduce_max3A_50 = arith.xori %scan3A_38#1, %reduce_max3A_49 : vector<16xi32>
    %reduce_max3A_51 = tpu.scan <max>, %reduce_max3A_50 masked %reduce_max3A_47 : vector<16xi32>, vector<16xi1> -> vector<16xi32>
    %reduce_max3A_52 = arith.xori %reduce_max3A_51, %reduce_max3A_49 : vector<16xi32>
    %reduce_max3A_53 = vector.extract %reduce_max3A_52[15] : i32 from vector<16xi32>
    %while3A:2 = scf.while (%while3A_170 = %reduce_min3A_46, %while3A_171 = %reduce_max3A_53) : (i32, i32) -> (i32, i32) {
      %lt3A = arith.cmpi slt, %while3A_170, %while3A_171 : i32
      scf.condition(%lt3A) %while3A_170, %while3A_171 : i32, i32
    } do {
    ^bb0(%while3A_170: i32, %while3A_171: i32):
      %add3A_172 = arith.addi %while3A_170, %while3A_171 : i32
      %shift_right_logical3A = arith.constant 1 : i32
      %shift_right_logical3A_173 = arith.shrui %add3A_172, %shift_right_logical3A : i32
      %broadcast_in_dim3A_174 = vector.broadcast %shift_right_logical3A_173 : i32 to vector<16xi32>
      %broadcast_in_dim3A_175 = arith.constant 0 : i32
      %broadcast_in_dim3A_176 = vector.broadcast %broadcast_in_dim3A_175 : i32 to vector<16xi32>
      %scan3A_177 = arith.constant 0 : i32
      %scan3A_178 = arith.constant 16 : i32
      %scan3A_179 = arith.addi %scan3A_177, %scan3A_178 : i32
      %scan3A_180 = arith.constant 1 : i32
      %scan3A_181 = scf.for %scan3A_191 = %scan3A_177 to %scan3A_179 step %scan3A_180 iter_args(%scan3A_192 = %broadcast_in_dim3A_176) -> (vector<16xi32>)  : i32 {
        %mul3A_193 = arith.constant 8 : i32
        %mul3A_194 = arith.muli %scan3A_191, %mul3A_193 : i32
        %add3A_195 = arith.constant 0 : i32
        %add3A_196 = arith.addi %mul3A_194, %add3A_195 : i32
        %mul3A_197 = arith.constant 16 : i32
        %mul3A_198 = arith.muli %add3A_196, %mul3A_197 : i32
        %get3A_199 = arith.constant 0 : i32
        %get3A_200 = arith.index_cast %get3A_199 : i32 to index
        %get3A_201 = arith.index_cast %mul3A_198 : i32 to index
        %get3A_202 = tpu.vector_load %arg5[%get3A_200, %get3A_201] {strides = array<i32>} : memref<1x2048xi32, #tpu.memory_space<vmem>>, vector<16xi32>,
        %gt3A = arith.cmpi sgt, %get3A_202, %broadcast_in_dim3A_174 : vector<16xi32>
        %convert_element_type3A = arith.extui %gt3A : vector<16xi1> to vector<16xi32>
        %add3A_203 = arith.addi %scan3A_192, %convert_element_type3A : vector<16xi32>
        %mul3A_204 = arith.constant 8 : i32
        %mul3A_205 = arith.muli %scan3A_191, %mul3A_204 : i32
        %add3A_206 = arith.constant 1 : i32
        %add3A_207 = arith.addi %mul3A_205, %add3A_206 : i32
        %mul3A_208 = arith.constant 16 : i32
        %mul3A_209 = arith.muli %add3A_207, %mul3A_208 : i32
        %get3A_210 = arith.constant 0 : i32
        %get3A_211 = arith.index_cast %get3A_210 : i32 to index
        %get3A_212 = arith.index_cast %mul3A_209 : i32 to index
        %get3A_213 = tpu.vector_load %arg5[%get3A_211, %get3A_212] {strides = array<i32>} : memref<1x2048xi32, #tpu.memory_space<vmem>>, vector<16xi32>,
        %gt3A_214 = arith.cmpi sgt, %get3A_213, %broadcast_in_dim3A_174 : vector<16xi32>
        %convert_element_type3A_215 = arith.extui %gt3A_214 : vector<16xi1> to vector<16xi32>
        %add3A_216 = arith.addi %add3A_203, %convert_element_type3A_215 : vector<16xi32>
        %mul3A_217 = arith.constant 8 : i32
        %mul3A_218 = arith.muli %scan3A_191, %mul3A_217 : i32
        %add3A_219 = arith.constant 2 : i32
        %add3A_220 = arith.addi %mul3A_218, %add3A_219 : i32
        %mul3A_221 = arith.constant 16 : i32
        %mul3A_222 = arith.muli %add3A_220, %mul3A_221 : i32
        %get3A_223 = arith.constant 0 : i32
        %get3A_224 = arith.index_cast %get3A_223 : i32 to index
        %get3A_225 = arith.index_cast %mul3A_222 : i32 to index
        %get3A_226 = tpu.vector_load %arg5[%get3A_224, %get3A_225] {strides = array<i32>} : memref<1x2048xi32, #tpu.memory_space<vmem>>, vector<16xi32>,
        %gt3A_227 = arith.cmpi sgt, %get3A_226, %broadcast_in_dim3A_174 : vector<16xi32>
        %convert_element_type3A_228 = arith.extui %gt3A_227 : vector<16xi1> to vector<16xi32>
        %add3A_229 = arith.addi %add3A_216, %convert_element_type3A_228 : vector<16xi32>
        %mul3A_230 = arith.constant 8 : i32
        %mul3A_231 = arith.muli %scan3A_191, %mul3A_230 : i32
        %add3A_232 = arith.constant 3 : i32
        %add3A_233 = arith.addi %mul3A_231, %add3A_232 : i32
        %mul3A_234 = arith.constant 16 : i32
        %mul3A_235 = arith.muli %add3A_233, %mul3A_234 : i32
        %get3A_236 = arith.constant 0 : i32
        %get3A_237 = arith.index_cast %get3A_236 : i32 to index
        %get3A_238 = arith.index_cast %mul3A_235 : i32 to index
        %get3A_239 = tpu.vector_load %arg5[%get3A_237, %get3A_238] {strides = array<i32>} : memref<1x2048xi32, #tpu.memory_space<vmem>>, vector<16xi32>,
        %gt3A_240 = arith.cmpi sgt, %get3A_239, %broadcast_in_dim3A_174 : vector<16xi32>
        %convert_element_type3A_241 = arith.extui %gt3A_240 : vector<16xi1> to vector<16xi32>
        %add3A_242 = arith.addi %add3A_229, %convert_element_type3A_241 : vector<16xi32>
        %mul3A_243 = arith.constant 8 : i32
        %mul3A_244 = arith.muli %scan3A_191, %mul3A_243 : i32
        %add3A_245 = arith.constant 4 : i32
        %add3A_246 = arith.addi %mul3A_244, %add3A_245 : i32
        %mul3A_247 = arith.constant 16 : i32
        %mul3A_248 = arith.muli %add3A_246, %mul3A_247 : i32
        %get3A_249 = arith.constant 0 : i32
        %get3A_250 = arith.index_cast %get3A_249 : i32 to index
        %get3A_251 = arith.index_cast %mul3A_248 : i32 to index
        %get3A_252 = tpu.vector_load %arg5[%get3A_250, %get3A_251] {strides = array<i32>} : memref<1x2048xi32, #tpu.memory_space<vmem>>, vector<16xi32>,
        %gt3A_253 = arith.cmpi sgt, %get3A_252, %broadcast_in_dim3A_174 : vector<16xi32>
        %convert_element_type3A_254 = arith.extui %gt3A_253 : vector<16xi1> to vector<16xi32>
        %add3A_255 = arith.addi %add3A_242, %convert_element_type3A_254 : vector<16xi32>
        %mul3A_256 = arith.constant 8 : i32
        %mul3A_257 = arith.muli %scan3A_191, %mul3A_256 : i32
        %add3A_258 = arith.constant 5 : i32
        %add3A_259 = arith.addi %mul3A_257, %add3A_258 : i32
        %mul3A_260 = arith.constant 16 : i32
        %mul3A_261 = arith.muli %add3A_259, %mul3A_260 : i32
        %get3A_262 = arith.constant 0 : i32
        %get3A_263 = arith.index_cast %get3A_262 : i32 to index
        %get3A_264 = arith.index_cast %mul3A_261 : i32 to index
        %get3A_265 = tpu.vector_load %arg5[%get3A_263, %get3A_264] {strides = array<i32>} : memref<1x2048xi32, #tpu.memory_space<vmem>>, vector<16xi32>,
        %gt3A_266 = arith.cmpi sgt, %get3A_265, %broadcast_in_dim3A_174 : vector<16xi32>
        %convert_element_type3A_267 = arith.extui %gt3A_266 : vector<16xi1> to vector<16xi32>
        %add3A_268 = arith.addi %add3A_255, %convert_element_type3A_267 : vector<16xi32>
        %mul3A_269 = arith.constant 8 : i32
        %mul3A_270 = arith.muli %scan3A_191, %mul3A_269 : i32
        %add3A_271 = arith.constant 6 : i32
        %add3A_272 = arith.addi %mul3A_270, %add3A_271 : i32
        %mul3A_273 = arith.constant 16 : i32
        %mul3A_274 = arith.muli %add3A_272, %mul3A_273 : i32
        %get3A_275 = arith.constant 0 : i32
        %get3A_276 = arith.index_cast %get3A_275 : i32 to index
        %get3A_277 = arith.index_cast %mul3A_274 : i32 to index
        %get3A_278 = tpu.vector_load %arg5[%get3A_276, %get3A_277] {strides = array<i32>} : memref<1x2048xi32, #tpu.memory_space<vmem>>, vector<16xi32>,
        %gt3A_279 = arith.cmpi sgt, %get3A_278, %broadcast_in_dim3A_174 : vector<16xi32>
        %convert_element_type3A_280 = arith.extui %gt3A_279 : vector<16xi1> to vector<16xi32>
        %add3A_281 = arith.addi %add3A_268, %convert_element_type3A_280 : vector<16xi32>
        %mul3A_282 = arith.constant 8 : i32
        %mul3A_283 = arith.muli %scan3A_191, %mul3A_282 : i32
        %add3A_284 = arith.constant 7 : i32
        %add3A_285 = arith.addi %mul3A_283, %add3A_284 : i32
        %mul3A_286 = arith.constant 16 : i32
        %mul3A_287 = arith.muli %add3A_285, %mul3A_286 : i32
        %get3A_288 = arith.constant 0 : i32
        %get3A_289 = arith.index_cast %get3A_288 : i32 to index
        %get3A_290 = arith.index_cast %mul3A_287 : i32 to index
        %get3A_291 = tpu.vector_load %arg5[%get3A_289, %get3A_290] {strides = array<i32>} : memref<1x2048xi32, #tpu.memory_space<vmem>>, vector<16xi32>,
        %gt3A_292 = arith.cmpi sgt, %get3A_291, %broadcast_in_dim3A_174 : vector<16xi32>
        %convert_element_type3A_293 = arith.extui %gt3A_292 : vector<16xi1> to vector<16xi32>
        %add3A_294 = arith.addi %add3A_281, %convert_element_type3A_293 : vector<16xi32>
        scf.yield %add3A_294 : vector<16xi32>
      }
      %scan3A_182 = arith.constant 16 : i32
      %reduce_sum3A_183 = arith.constant true
      %reduce_sum3A_184 = vector.broadcast %reduce_sum3A_183 : i1 to vector<16xi1>
      %reduce_sum3A_185 = tpu.scan <sum>, %scan3A_181 masked %reduce_sum3A_184 : vector<16xi32>, vector<16xi1> -> vector<16xi32>
      %reduce_sum3A_186 = vector.extract %reduce_sum3A_185[15] : i32 from vector<16xi32>
      %lt3A = arith.cmpi slt, %reduce_sum3A_186, %reduce_sum3A_30 : i32
      %add3A_187 = arith.constant 1 : i32
      %add3A_188 = arith.addi %shift_right_logical3A_173, %add3A_187 : i32
      %select_n3A_189 = arith.select %lt3A, %while3A_170, %add3A_188 : i32
      %select_n3A_190 = arith.select %lt3A, %shift_right_logical3A_173, %while3A_171 : i32
      scf.yield %select_n3A_189, %select_n3A_190 : i32, i32
    }
    %broadcast_in_dim3A_54 = vector.broadcast %while3A#0 : i32 to vector<16xi32>
    %broadcast_in_dim3A_55 = arith.constant 0 : i32
    %broadcast_in_dim3A_56 = vector.broadcast %broadcast_in_dim3A_55 : i32 to vector<16xi32>
    %scan3A_57 = arith.constant 0 : i32
    %scan3A_58 = arith.constant 16 : i32
    %scan3A_59 = arith.addi %scan3A_57, %scan3A_58 : i32
    %scan3A_60 = arith.constant 1 : i32
    %scan3A_61 = scf.for %scan3A_170 = %scan3A_57 to %scan3A_59 step %scan3A_60 iter_args(%scan3A_171 = %broadcast_in_dim3A_56) -> (vector<16xi32>)  : i32 {
      %mul3A_172 = arith.constant 8 : i32
      %mul3A_173 = arith.muli %scan3A_170, %mul3A_172 : i32
      %add3A_174 = arith.constant 0 : i32
      %add3A_175 = arith.addi %mul3A_173, %add3A_174 : i32
      %mul3A_176 = arith.constant 16 : i32
      %mul3A_177 = arith.muli %add3A_175, %mul3A_176 : i32
      %get3A_178 = arith.constant 0 : i32
      %get3A_179 = arith.index_cast %get3A_178 : i32 to index
      %get3A_180 = arith.index_cast %mul3A_177 : i32 to index
      %get3A_181 = tpu.vector_load %arg5[%get3A_179, %get3A_180] {strides = array<i32>} : memref<1x2048xi32, #tpu.memory_space<vmem>>, vector<16xi32>,
      %gt3A = arith.cmpi sgt, %get3A_181, %broadcast_in_dim3A_54 : vector<16xi32>
      %convert_element_type3A = arith.extui %gt3A : vector<16xi1> to vector<16xi32>
      %add3A_182 = arith.addi %scan3A_171, %convert_element_type3A : vector<16xi32>
      %mul3A_183 = arith.constant 8 : i32
      %mul3A_184 = arith.muli %scan3A_170, %mul3A_183 : i32
      %add3A_185 = arith.constant 1 : i32
      %add3A_186 = arith.addi %mul3A_184, %add3A_185 : i32
      %mul3A_187 = arith.constant 16 : i32
      %mul3A_188 = arith.muli %add3A_186, %mul3A_187 : i32
      %get3A_189 = arith.constant 0 : i32
      %get3A_190 = arith.index_cast %get3A_189 : i32 to index
      %get3A_191 = arith.index_cast %mul3A_188 : i32 to index
      %get3A_192 = tpu.vector_load %arg5[%get3A_190, %get3A_191] {strides = array<i32>} : memref<1x2048xi32, #tpu.memory_space<vmem>>, vector<16xi32>,
      %gt3A_193 = arith.cmpi sgt, %get3A_192, %broadcast_in_dim3A_54 : vector<16xi32>
      %convert_element_type3A_194 = arith.extui %gt3A_193 : vector<16xi1> to vector<16xi32>
      %add3A_195 = arith.addi %add3A_182, %convert_element_type3A_194 : vector<16xi32>
      %mul3A_196 = arith.constant 8 : i32
      %mul3A_197 = arith.muli %scan3A_170, %mul3A_196 : i32
      %add3A_198 = arith.constant 2 : i32
      %add3A_199 = arith.addi %mul3A_197, %add3A_198 : i32
      %mul3A_200 = arith.constant 16 : i32
      %mul3A_201 = arith.muli %add3A_199, %mul3A_200 : i32
      %get3A_202 = arith.constant 0 : i32
      %get3A_203 = arith.index_cast %get3A_202 : i32 to index
      %get3A_204 = arith.index_cast %mul3A_201 : i32 to index
      %get3A_205 = tpu.vector_load %arg5[%get3A_203, %get3A_204] {strides = array<i32>} : memref<1x2048xi32, #tpu.memory_space<vmem>>, vector<16xi32>,
      %gt3A_206 = arith.cmpi sgt, %get3A_205, %broadcast_in_dim3A_54 : vector<16xi32>
      %convert_element_type3A_207 = arith.extui %gt3A_206 : vector<16xi1> to vector<16xi32>
      %add3A_208 = arith.addi %add3A_195, %convert_element_type3A_207 : vector<16xi32>
      %mul3A_209 = arith.constant 8 : i32
      %mul3A_210 = arith.muli %scan3A_170, %mul3A_209 : i32
      %add3A_211 = arith.constant 3 : i32
      %add3A_212 = arith.addi %mul3A_210, %add3A_211 : i32
      %mul3A_213 = arith.constant 16 : i32
      %mul3A_214 = arith.muli %add3A_212, %mul3A_213 : i32
      %get3A_215 = arith.constant 0 : i32
      %get3A_216 = arith.index_cast %get3A_215 : i32 to index
      %get3A_217 = arith.index_cast %mul3A_214 : i32 to index
      %get3A_218 = tpu.vector_load %arg5[%get3A_216, %get3A_217] {strides = array<i32>} : memref<1x2048xi32, #tpu.memory_space<vmem>>, vector<16xi32>,
      %gt3A_219 = arith.cmpi sgt, %get3A_218, %broadcast_in_dim3A_54 : vector<16xi32>
      %convert_element_type3A_220 = arith.extui %gt3A_219 : vector<16xi1> to vector<16xi32>
      %add3A_221 = arith.addi %add3A_208, %convert_element_type3A_220 : vector<16xi32>
      %mul3A_222 = arith.constant 8 : i32
      %mul3A_223 = arith.muli %scan3A_170, %mul3A_222 : i32
      %add3A_224 = arith.constant 4 : i32
      %add3A_225 = arith.addi %mul3A_223, %add3A_224 : i32
      %mul3A_226 = arith.constant 16 : i32
      %mul3A_227 = arith.muli %add3A_225, %mul3A_226 : i32
      %get3A_228 = arith.constant 0 : i32
      %get3A_229 = arith.index_cast %get3A_228 : i32 to index
      %get3A_230 = arith.index_cast %mul3A_227 : i32 to index
      %get3A_231 = tpu.vector_load %arg5[%get3A_229, %get3A_230] {strides = array<i32>} : memref<1x2048xi32, #tpu.memory_space<vmem>>, vector<16xi32>,
      %gt3A_232 = arith.cmpi sgt, %get3A_231, %broadcast_in_dim3A_54 : vector<16xi32>
      %convert_element_type3A_233 = arith.extui %gt3A_232 : vector<16xi1> to vector<16xi32>
      %add3A_234 = arith.addi %add3A_221, %convert_element_type3A_233 : vector<16xi32>
      %mul3A_235 = arith.constant 8 : i32
      %mul3A_236 = arith.muli %scan3A_170, %mul3A_235 : i32
      %add3A_237 = arith.constant 5 : i32
      %add3A_238 = arith.addi %mul3A_236, %add3A_237 : i32
      %mul3A_239 = arith.constant 16 : i32
      %mul3A_240 = arith.muli %add3A_238, %mul3A_239 : i32
      %get3A_241 = arith.constant 0 : i32
      %get3A_242 = arith.index_cast %get3A_241 : i32 to index
      %get3A_243 = arith.index_cast %mul3A_240 : i32 to index
      %get3A_244 = tpu.vector_load %arg5[%get3A_242, %get3A_243] {strides = array<i32>} : memref<1x2048xi32, #tpu.memory_space<vmem>>, vector<16xi32>,
      %gt3A_245 = arith.cmpi sgt, %get3A_244, %broadcast_in_dim3A_54 : vector<16xi32>
      %convert_element_type3A_246 = arith.extui %gt3A_245 : vector<16xi1> to vector<16xi32>
      %add3A_247 = arith.addi %add3A_234, %convert_element_type3A_246 : vector<16xi32>
      %mul3A_248 = arith.constant 8 : i32
      %mul3A_249 = arith.muli %scan3A_170, %mul3A_248 : i32
      %add3A_250 = arith.constant 6 : i32
      %add3A_251 = arith.addi %mul3A_249, %add3A_250 : i32
      %mul3A_252 = arith.constant 16 : i32
      %mul3A_253 = arith.muli %add3A_251, %mul3A_252 : i32
      %get3A_254 = arith.constant 0 : i32
      %get3A_255 = arith.index_cast %get3A_254 : i32 to index
      %get3A_256 = arith.index_cast %mul3A_253 : i32 to index
      %get3A_257 = tpu.vector_load %arg5[%get3A_255, %get3A_256] {strides = array<i32>} : memref<1x2048xi32, #tpu.memory_space<vmem>>, vector<16xi32>,
      %gt3A_258 = arith.cmpi sgt, %get3A_257, %broadcast_in_dim3A_54 : vector<16xi32>
      %convert_element_type3A_259 = arith.extui %gt3A_258 : vector<16xi1> to vector<16xi32>
      %add3A_260 = arith.addi %add3A_247, %convert_element_type3A_259 : vector<16xi32>
      %mul3A_261 = arith.constant 8 : i32
      %mul3A_262 = arith.muli %scan3A_170, %mul3A_261 : i32
      %add3A_263 = arith.constant 7 : i32
      %add3A_264 = arith.addi %mul3A_262, %add3A_263 : i32
      %mul3A_265 = arith.constant 16 : i32
      %mul3A_266 = arith.muli %add3A_264, %mul3A_265 : i32
      %get3A_267 = arith.constant 0 : i32
      %get3A_268 = arith.index_cast %get3A_267 : i32 to index
      %get3A_269 = arith.index_cast %mul3A_266 : i32 to index
      %get3A_270 = tpu.vector_load %arg5[%get3A_268, %get3A_269] {strides = array<i32>} : memref<1x2048xi32, #tpu.memory_space<vmem>>, vector<16xi32>,
      %gt3A_271 = arith.cmpi sgt, %get3A_270, %broadcast_in_dim3A_54 : vector<16xi32>
      %convert_element_type3A_272 = arith.extui %gt3A_271 : vector<16xi1> to vector<16xi32>
      %add3A_273 = arith.addi %add3A_260, %convert_element_type3A_272 : vector<16xi32>
      scf.yield %add3A_273 : vector<16xi32>
    }
    %scan3A_62 = arith.constant 16 : i32
    %reduce_sum3A_63 = arith.constant true
    %reduce_sum3A_64 = vector.broadcast %reduce_sum3A_63 : i1 to vector<16xi1>
    %reduce_sum3A_65 = tpu.scan <sum>, %scan3A_61 masked %reduce_sum3A_64 : vector<16xi32>, vector<16xi1> -> vector<16xi32>
    %reduce_sum3A_66 = vector.extract %reduce_sum3A_65[15] : i32 from vector<16xi32>
    %sub3A_67 = arith.subi %reduce_sum3A_30, %reduce_sum3A_66 : i32
    %broadcast_in_dim3A_68 = vector.broadcast %while3A#0 : i32 to vector<16xi32>
    %broadcast_in_dim3A_69 = vector.broadcast %sub3A_67 : i32 to vector<16xi32>
    %scan3A_70 = arith.constant 0 : i32
    %scan3A_71 = arith.constant 0 : i32
    %scan3A_72 = arith.constant 128 : i32
    %scan3A_73 = arith.addi %scan3A_71, %scan3A_72 : i32
    %scan3A_74 = arith.constant 1 : i32
    %scan3A_75 = scf.for %scan3A_170 = %scan3A_71 to %scan3A_73 step %scan3A_74 iter_args(%scan3A_171 = %scan3A_70) -> (i32)  : i32 {
      %mul3A_172 = arith.constant 16 : i32
      %mul3A_173 = arith.muli %scan3A_170, %mul3A_172 : i32
      %get3A_174 = arith.constant 0 : i32
      %get3A_175 = arith.index_cast %get3A_174 : i32 to index
      %get3A_176 = arith.index_cast %mul3A_173 : i32 to index
      %get3A_177 = tpu.vector_load %arg5[%get3A_175, %get3A_176] {strides = array<i32>} : memref<1x2048xi32, #tpu.memory_space<vmem>>, vector<16xi32>,
      %eq3A_178 = arith.cmpi eq, %get3A_177, %broadcast_in_dim3A_68 : vector<16xi32>
      %convert_element_type3A = arith.extui %eq3A_178 : vector<16xi1> to vector<16xi32>
      %broadcast_in_dim3A_179 = arith.constant true
      %broadcast_in_dim3A_180 = vector.broadcast %broadcast_in_dim3A_179 : i1 to vector<16xi1>
      %masked_cumsum3A = tpu.scan <sum>, %convert_element_type3A masked %broadcast_in_dim3A_180 : vector<16xi32>, vector<16xi1> -> vector<16xi32>
      %sub3A_181 = arith.subi %masked_cumsum3A, %convert_element_type3A : vector<16xi32>
      %gt3A = arith.cmpi sgt, %get3A_177, %broadcast_in_dim3A_68 : vector<16xi32>
      %broadcast_in_dim3A_182 = vector.broadcast %scan3A_171 : i32 to vector<16xi32>
      %add3A_183 = arith.addi %sub3A_181, %broadcast_in_dim3A_182 : vector<16xi32>
      %lt3A = arith.cmpi slt, %add3A_183, %broadcast_in_dim3A_69 : vector<16xi32>
      %and3A_184 = arith.andi %eq3A_178, %lt3A : vector<16xi1>
      %or3A = arith.ori %gt3A, %and3A_184 : vector<16xi1>
      %jit3A_185 = arith.constant 0 : i32
      %broadcast_in_dim3A_186 = vector.broadcast %jit3A_185 : i32 to vector<16xi32>
      %select_n3A_187 = arith.select %or3A, %get3A_177, %broadcast_in_dim3A_186 : vector<16xi1>, vector<16xi32>
      %mul3A_188 = arith.constant 16 : i32
      %mul3A_189 = arith.muli %scan3A_170, %mul3A_188 : i32
      %swap3A = arith.constant 0 : i32
      %swap3A_190 = arith.index_cast %swap3A : i32 to index
      %swap3A_191 = arith.index_cast %mul3A_189 : i32 to index
      %swap3A_192 = tpu.vector_load %arg6[%swap3A_190, %swap3A_191] {strides = array<i32>} : memref<1x2048xi32, #tpu.memory_space<vmem>>, vector<16xi32>,
      tpu.vector_store %arg6[%swap3A_190, %swap3A_191], %select_n3A_187 {strides = array<i32>} : memref<1x2048xi32, #tpu.memory_space<vmem>>, vector<16xi32>,
      %reduce_sum3A_193 = arith.constant true
      %reduce_sum3A_194 = vector.broadcast %reduce_sum3A_193 : i1 to vector<16xi1>
      %reduce_sum3A_195 = tpu.scan <sum>, %convert_element_type3A masked %reduce_sum3A_194 : vector<16xi32>, vector<16xi1> -> vector<16xi32>
      %reduce_sum3A_196 = vector.extract %reduce_sum3A_195[15] : i32 from vector<16xi32>
      %add3A_197 = arith.addi %scan3A_171, %reduce_sum3A_196 : i32
      scf.yield %add3A_197 : i32
    }
    %scan3A_76 = arith.constant 128 : i32
    "tpu.region"() ({
      %run_scoped3A = tpu.sem_alloc : memref<!tpu.dma_semaphore, #tpu.memory_space<semaphore_mem>>
      %dma_start3A = arith.constant 0 : i32
      %dma_start3A_170 = tpu.memref_slice %arg4[%add3A_4, %dma_start3A] : memref<64x2048xi32, #tpu.memory_space<hbm>> -> memref<1x2048xi32, #tpu.memory_space<hbm>>
      %dma_start3A_171 = arith.constant 0 : i32
      %dma_start3A_172 = tpu.memref_slice %arg4[%add3A_4, %dma_start3A_171] : memref<64x2048xi32, #tpu.memory_space<hbm>> -> memref<1x2048xi32, #tpu.memory_space<hbm>>
      tpu.enqueue_dma source(%arg6 : memref<1x2048xi32, #tpu.memory_space<vmem>>) target(%dma_start3A_172 : memref<1x2048xi32, #tpu.memory_space<hbm>>) target_semaphore(%run_scoped3A : memref<!tpu.dma_semaphore, #tpu.memory_space<semaphore_mem>>)
      %dma_wait3A = arith.constant 0 : i32
      %dma_wait3A_173 = tpu.memref_slice %arg4[%add3A_4, %dma_wait3A] : memref<64x2048xi32, #tpu.memory_space<hbm>> -> memref<1x2048xi32, #tpu.memory_space<hbm>>
      %dma_wait3A_174 = arith.constant 0 : i32
      %dma_wait3A_175 = tpu.memref_slice %arg4[%add3A_4, %dma_wait3A_174] : memref<64x2048xi32, #tpu.memory_space<hbm>> -> memref<1x2048xi32, #tpu.memory_space<hbm>>
      tpu.wait_dma2 semaphore(%run_scoped3A : memref<!tpu.dma_semaphore, #tpu.memory_space<semaphore_mem>>) src(%arg6 : memref<1x2048xi32, #tpu.memory_space<vmem>>) dst(%dma_wait3A_175 : memref<1x2048xi32, #tpu.memory_space<hbm>>)
      tpu.yield
    }) : () -> ()
    %mul3A_77 = arith.constant 2 : i32
    %mul3A_78 = arith.muli %add3A, %mul3A_77 : i32
    %add3A_79 = arith.constant 1 : i32
    %add3A_80 = arith.addi %mul3A_78, %add3A_79 : i32
    "tpu.region"() ({
      %run_scoped3A = tpu.sem_alloc : memref<!tpu.dma_semaphore, #tpu.memory_space<semaphore_mem>>
      %dma_start3A = arith.constant 0 : i32
      %dma_start3A_170 = tpu.memref_slice %arg2[%add3A_80, %dma_start3A] : memref<64x2048xi32, #tpu.memory_space<hbm>> -> memref<1x2048xi32, #tpu.memory_space<hbm>>
      %dma_start3A_171 = arith.constant 0 : i32
      %dma_start3A_172 = tpu.memref_slice %arg2[%add3A_80, %dma_start3A_171] : memref<64x2048xi32, #tpu.memory_space<hbm>> -> memref<1x2048xi32, #tpu.memory_space<hbm>>
      tpu.enqueue_dma source(%dma_start3A_172 : memref<1x2048xi32, #tpu.memory_space<hbm>>) target(%arg5 : memref<1x2048xi32, #tpu.memory_space<vmem>>) target_semaphore(%run_scoped3A : memref<!tpu.dma_semaphore, #tpu.memory_space<semaphore_mem>>)
      %dma_wait3A = arith.constant 0 : i32
      %dma_wait3A_173 = tpu.memref_slice %arg2[%add3A_80, %dma_wait3A] : memref<64x2048xi32, #tpu.memory_space<hbm>> -> memref<1x2048xi32, #tpu.memory_space<hbm>>
      %dma_wait3A_174 = arith.constant 0 : i32
      %dma_wait3A_175 = tpu.memref_slice %arg2[%add3A_80, %dma_wait3A_174] : memref<64x2048xi32, #tpu.memory_space<hbm>> -> memref<1x2048xi32, #tpu.memory_space<hbm>>
      tpu.wait_dma2 semaphore(%run_scoped3A : memref<!tpu.dma_semaphore, #tpu.memory_space<semaphore_mem>>) src(%dma_wait3A_175 : memref<1x2048xi32, #tpu.memory_space<hbm>>) dst(%arg5 : memref<1x2048xi32, #tpu.memory_space<vmem>>)
      tpu.yield
    }) : () -> ()
    %jit3A_81 = arith.constant 16 : i32
    %div3A_82 = arith.divsi %add3A_80, %jit3A_81 : i32
    %sign3A_83 = arith.constant 0 : i32
    %sign3A_84 = arith.cmpi sgt, %add3A_80, %sign3A_83 : i32
    %sign3A_85 = arith.extui %sign3A_84 : i1 to i32
    %sign3A_86 = arith.constant 0 : i32
    %sign3A_87 = arith.cmpi slt, %add3A_80, %sign3A_86 : i32
    %sign3A_88 = arith.extui %sign3A_87 : i1 to i32
    %sign3A_89 = arith.subi %sign3A_85, %sign3A_88 : i32
    %sign3A_90 = arith.constant 0 : i32
    %sign3A_91 = arith.cmpi sgt, %jit3A_81, %sign3A_90 : i32
    %sign3A_92 = arith.extui %sign3A_91 : i1 to i32
    %sign3A_93 = arith.constant 0 : i32
    %sign3A_94 = arith.cmpi slt, %jit3A_81, %sign3A_93 : i32
    %sign3A_95 = arith.extui %sign3A_94 : i1 to i32
    %sign3A_96 = arith.subi %sign3A_92, %sign3A_95 : i32
    %ne3A_97 = arith.cmpi ne, %sign3A_89, %sign3A_96 : i32
    %rem3A_98 = arith.remsi %add3A_80, %jit3A_81 : i32
    %ne3A_99 = arith.constant 0 : i32
    %ne3A_100 = arith.cmpi ne, %rem3A_98, %ne3A_99 : i32
    %and3A_101 = arith.andi %ne3A_97, %ne3A_100 : i1
    %sub3A_102 = arith.constant 1 : i32
    %sub3A_103 = arith.subi %div3A_82, %sub3A_102 : i32
    %select_n3A_104 = arith.select %and3A_101, %sub3A_103, %div3A_82 : i32
    %mul3A_105 = arith.constant 16 : i32
    %mul3A_106 = arith.muli %select_n3A_104, %mul3A_105 : i32
    %get3A_107 = arith.index_cast %mul3A_106 : i32 to index
    %get3A_108 = tpu.vector_load %arg7[%get3A_107] {strides = array<i32>} : memref<64xi32, #tpu.memory_space<vmem>>, vector<16xi32>,
    %iota3A_109 = tpu.iota {dimensions = array<i32: 0>} : vector<16xi32>
    %sub3A_110 = arith.subi %add3A_80, %mul3A_106 : i32
    %broadcast_in_dim3A_111 = vector.broadcast %sub3A_110 : i32 to vector<16xi32>
    %eq3A_112 = arith.cmpi eq, %iota3A_109, %broadcast_in_dim3A_111 : vector<16xi32>
    %jit3A_113 = arith.constant 0 : i32
    %broadcast_in_dim3A_114 = vector.broadcast %jit3A_113 : i32 to vector<16xi32>
    %select_n3A_115 = arith.select %eq3A_112, %get3A_108, %broadcast_in_dim3A_114 : vector<16xi1>, vector<16xi32>
    %reduce_sum3A_116 = arith.constant true
    %reduce_sum3A_117 = vector.broadcast %reduce_sum3A_116 : i1 to vector<16xi1>
    %reduce_sum3A_118 = tpu.scan <sum>, %select_n3A_115 masked %reduce_sum3A_117 : vector<16xi32>, vector<16xi1> -> vector<16xi32>
    %reduce_sum3A_119 = vector.extract %reduce_sum3A_118[15] : i32 from vector<16xi32>
    %broadcast_in_dim3A_120 = arith.constant 1065353216 : i32
    %broadcast_in_dim3A_121 = vector.broadcast %broadcast_in_dim3A_120 : i32 to vector<16xi32>
    %broadcast_in_dim3A_122 = arith.constant 0 : i32
    %broadcast_in_dim3A_123 = vector.broadcast %broadcast_in_dim3A_122 : i32 to vector<16xi32>
    %scan3A_124 = arith.constant 0 : i32
    %scan3A_125 = arith.constant 16 : i32
    %scan3A_126 = arith.addi %scan3A_124, %scan3A_125 : i32
    %scan3A_127 = arith.constant 1 : i32
    %scan3A_128:2 = scf.for %scan3A_170 = %scan3A_124 to %scan3A_126 step %scan3A_127 iter_args(%scan3A_171 = %broadcast_in_dim3A_121, %scan3A_172 = %broadcast_in_dim3A_123) -> (vector<16xi32>, vector<16xi32>)  : i32 {
      %mul3A_173 = arith.constant 8 : i32
      %mul3A_174 = arith.muli %scan3A_170, %mul3A_173 : i32
      %add3A_175 = arith.constant 0 : i32
      %add3A_176 = arith.addi %mul3A_174, %add3A_175 : i32
      %mul3A_177 = arith.constant 16 : i32
      %mul3A_178 = arith.muli %add3A_176, %mul3A_177 : i32
      %get3A_179 = arith.constant 0 : i32
      %get3A_180 = arith.index_cast %get3A_179 : i32 to index
      %get3A_181 = arith.index_cast %mul3A_178 : i32 to index
      %get3A_182 = tpu.vector_load %arg5[%get3A_180, %get3A_181] {strides = array<i32>} : memref<1x2048xi32, #tpu.memory_space<vmem>>, vector<16xi32>,
      %min3A = arith.minsi %scan3A_171, %get3A_182 : vector<16xi32>
      %max3A = arith.maxsi %scan3A_172, %get3A_182 : vector<16xi32>
      %mul3A_183 = arith.constant 8 : i32
      %mul3A_184 = arith.muli %scan3A_170, %mul3A_183 : i32
      %add3A_185 = arith.constant 1 : i32
      %add3A_186 = arith.addi %mul3A_184, %add3A_185 : i32
      %mul3A_187 = arith.constant 16 : i32
      %mul3A_188 = arith.muli %add3A_186, %mul3A_187 : i32
      %get3A_189 = arith.constant 0 : i32
      %get3A_190 = arith.index_cast %get3A_189 : i32 to index
      %get3A_191 = arith.index_cast %mul3A_188 : i32 to index
      %get3A_192 = tpu.vector_load %arg5[%get3A_190, %get3A_191] {strides = array<i32>} : memref<1x2048xi32, #tpu.memory_space<vmem>>, vector<16xi32>,
      %min3A_193 = arith.minsi %min3A, %get3A_192 : vector<16xi32>
      %max3A_194 = arith.maxsi %max3A, %get3A_192 : vector<16xi32>
      %mul3A_195 = arith.constant 8 : i32
      %mul3A_196 = arith.muli %scan3A_170, %mul3A_195 : i32
      %add3A_197 = arith.constant 2 : i32
      %add3A_198 = arith.addi %mul3A_196, %add3A_197 : i32
      %mul3A_199 = arith.constant 16 : i32
      %mul3A_200 = arith.muli %add3A_198, %mul3A_199 : i32
      %get3A_201 = arith.constant 0 : i32
      %get3A_202 = arith.index_cast %get3A_201 : i32 to index
      %get3A_203 = arith.index_cast %mul3A_200 : i32 to index
      %get3A_204 = tpu.vector_load %arg5[%get3A_202, %get3A_203] {strides = array<i32>} : memref<1x2048xi32, #tpu.memory_space<vmem>>, vector<16xi32>,
      %min3A_205 = arith.minsi %min3A_193, %get3A_204 : vector<16xi32>
      %max3A_206 = arith.maxsi %max3A_194, %get3A_204 : vector<16xi32>
      %mul3A_207 = arith.constant 8 : i32
      %mul3A_208 = arith.muli %scan3A_170, %mul3A_207 : i32
      %add3A_209 = arith.constant 3 : i32
      %add3A_210 = arith.addi %mul3A_208, %add3A_209 : i32
      %mul3A_211 = arith.constant 16 : i32
      %mul3A_212 = arith.muli %add3A_210, %mul3A_211 : i32
      %get3A_213 = arith.constant 0 : i32
      %get3A_214 = arith.index_cast %get3A_213 : i32 to index
      %get3A_215 = arith.index_cast %mul3A_212 : i32 to index
      %get3A_216 = tpu.vector_load %arg5[%get3A_214, %get3A_215] {strides = array<i32>} : memref<1x2048xi32, #tpu.memory_space<vmem>>, vector<16xi32>,
      %min3A_217 = arith.minsi %min3A_205, %get3A_216 : vector<16xi32>
      %max3A_218 = arith.maxsi %max3A_206, %get3A_216 : vector<16xi32>
      %mul3A_219 = arith.constant 8 : i32
      %mul3A_220 = arith.muli %scan3A_170, %mul3A_219 : i32
      %add3A_221 = arith.constant 4 : i32
      %add3A_222 = arith.addi %mul3A_220, %add3A_221 : i32
      %mul3A_223 = arith.constant 16 : i32
      %mul3A_224 = arith.muli %add3A_222, %mul3A_223 : i32
      %get3A_225 = arith.constant 0 : i32
      %get3A_226 = arith.index_cast %get3A_225 : i32 to index
      %get3A_227 = arith.index_cast %mul3A_224 : i32 to index
      %get3A_228 = tpu.vector_load %arg5[%get3A_226, %get3A_227] {strides = array<i32>} : memref<1x2048xi32, #tpu.memory_space<vmem>>, vector<16xi32>,
      %min3A_229 = arith.minsi %min3A_217, %get3A_228 : vector<16xi32>
      %max3A_230 = arith.maxsi %max3A_218, %get3A_228 : vector<16xi32>
      %mul3A_231 = arith.constant 8 : i32
      %mul3A_232 = arith.muli %scan3A_170, %mul3A_231 : i32
      %add3A_233 = arith.constant 5 : i32
      %add3A_234 = arith.addi %mul3A_232, %add3A_233 : i32
      %mul3A_235 = arith.constant 16 : i32
      %mul3A_236 = arith.muli %add3A_234, %mul3A_235 : i32
      %get3A_237 = arith.constant 0 : i32
      %get3A_238 = arith.index_cast %get3A_237 : i32 to index
      %get3A_239 = arith.index_cast %mul3A_236 : i32 to index
      %get3A_240 = tpu.vector_load %arg5[%get3A_238, %get3A_239] {strides = array<i32>} : memref<1x2048xi32, #tpu.memory_space<vmem>>, vector<16xi32>,
      %min3A_241 = arith.minsi %min3A_229, %get3A_240 : vector<16xi32>
      %max3A_242 = arith.maxsi %max3A_230, %get3A_240 : vector<16xi32>
      %mul3A_243 = arith.constant 8 : i32
      %mul3A_244 = arith.muli %scan3A_170, %mul3A_243 : i32
      %add3A_245 = arith.constant 6 : i32
      %add3A_246 = arith.addi %mul3A_244, %add3A_245 : i32
      %mul3A_247 = arith.constant 16 : i32
      %mul3A_248 = arith.muli %add3A_246, %mul3A_247 : i32
      %get3A_249 = arith.constant 0 : i32
      %get3A_250 = arith.index_cast %get3A_249 : i32 to index
      %get3A_251 = arith.index_cast %mul3A_248 : i32 to index
      %get3A_252 = tpu.vector_load %arg5[%get3A_250, %get3A_251] {strides = array<i32>} : memref<1x2048xi32, #tpu.memory_space<vmem>>, vector<16xi32>,
      %min3A_253 = arith.minsi %min3A_241, %get3A_252 : vector<16xi32>
      %max3A_254 = arith.maxsi %max3A_242, %get3A_252 : vector<16xi32>
      %mul3A_255 = arith.constant 8 : i32
      %mul3A_256 = arith.muli %scan3A_170, %mul3A_255 : i32
      %add3A_257 = arith.constant 7 : i32
      %add3A_258 = arith.addi %mul3A_256, %add3A_257 : i32
      %mul3A_259 = arith.constant 16 : i32
      %mul3A_260 = arith.muli %add3A_258, %mul3A_259 : i32
      %get3A_261 = arith.constant 0 : i32
      %get3A_262 = arith.index_cast %get3A_261 : i32 to index
      %get3A_263 = arith.index_cast %mul3A_260 : i32 to index
      %get3A_264 = tpu.vector_load %arg5[%get3A_262, %get3A_263] {strides = array<i32>} : memref<1x2048xi32, #tpu.memory_space<vmem>>, vector<16xi32>,
      %min3A_265 = arith.minsi %min3A_253, %get3A_264 : vector<16xi32>
      %max3A_266 = arith.maxsi %max3A_254, %get3A_264 : vector<16xi32>
      scf.yield %min3A_265, %max3A_266 : vector<16xi32>, vector<16xi32>
    }
    %scan3A_129 = arith.constant 16 : i32
    %reduce_min3A_130 = arith.constant true
    %reduce_min3A_131 = vector.broadcast %reduce_min3A_130 : i1 to vector<16xi1>
    %reduce_min3A_132 = arith.constant -2147483648 : i32
    %reduce_min3A_133 = vector.broadcast %reduce_min3A_132 : i32 to vector<16xi32>
    %reduce_min3A_134 = arith.xori %scan3A_128#0, %reduce_min3A_133 : vector<16xi32>
    %reduce_min3A_135 = tpu.scan <min>, %reduce_min3A_134 masked %reduce_min3A_131 : vector<16xi32>, vector<16xi1> -> vector<16xi32>
    %reduce_min3A_136 = arith.xori %reduce_min3A_135, %reduce_min3A_133 : vector<16xi32>
    %reduce_min3A_137 = vector.extract %reduce_min3A_136[15] : i32 from vector<16xi32>
    %reduce_max3A_138 = arith.constant true
    %reduce_max3A_139 = vector.broadcast %reduce_max3A_138 : i1 to vector<16xi1>
    %reduce_max3A_140 = arith.constant -2147483648 : i32
    %reduce_max3A_141 = vector.broadcast %reduce_max3A_140 : i32 to vector<16xi32>
    %reduce_max3A_142 = arith.xori %scan3A_128#1, %reduce_max3A_141 : vector<16xi32>
    %reduce_max3A_143 = tpu.scan <max>, %reduce_max3A_142 masked %reduce_max3A_139 : vector<16xi32>, vector<16xi1> -> vector<16xi32>
    %reduce_max3A_144 = arith.xori %reduce_max3A_143, %reduce_max3A_141 : vector<16xi32>
    %reduce_max3A_145 = vector.extract %reduce_max3A_144[15] : i32 from vector<16xi32>
    %while3A_146:2 = scf.while (%while3A_170 = %reduce_min3A_137, %while3A_171 = %reduce_max3A_145) : (i32, i32) -> (i32, i32) {
      %lt3A = arith.cmpi slt, %while3A_170, %while3A_171 : i32
      scf.condition(%lt3A) %while3A_170, %while3A_171 : i32, i32
    } do {
    ^bb0(%while3A_170: i32, %while3A_171: i32):
      %add3A_172 = arith.addi %while3A_170, %while3A_171 : i32
      %shift_right_logical3A = arith.constant 1 : i32
      %shift_right_logical3A_173 = arith.shrui %add3A_172, %shift_right_logical3A : i32
      %broadcast_in_dim3A_174 = vector.broadcast %shift_right_logical3A_173 : i32 to vector<16xi32>
      %broadcast_in_dim3A_175 = arith.constant 0 : i32
      %broadcast_in_dim3A_176 = vector.broadcast %broadcast_in_dim3A_175 : i32 to vector<16xi32>
      %scan3A_177 = arith.constant 0 : i32
      %scan3A_178 = arith.constant 16 : i32
      %scan3A_179 = arith.addi %scan3A_177, %scan3A_178 : i32
      %scan3A_180 = arith.constant 1 : i32
      %scan3A_181 = scf.for %scan3A_191 = %scan3A_177 to %scan3A_179 step %scan3A_180 iter_args(%scan3A_192 = %broadcast_in_dim3A_176) -> (vector<16xi32>)  : i32 {
        %mul3A_193 = arith.constant 8 : i32
        %mul3A_194 = arith.muli %scan3A_191, %mul3A_193 : i32
        %add3A_195 = arith.constant 0 : i32
        %add3A_196 = arith.addi %mul3A_194, %add3A_195 : i32
        %mul3A_197 = arith.constant 16 : i32
        %mul3A_198 = arith.muli %add3A_196, %mul3A_197 : i32
        %get3A_199 = arith.constant 0 : i32
        %get3A_200 = arith.index_cast %get3A_199 : i32 to index
        %get3A_201 = arith.index_cast %mul3A_198 : i32 to index
        %get3A_202 = tpu.vector_load %arg5[%get3A_200, %get3A_201] {strides = array<i32>} : memref<1x2048xi32, #tpu.memory_space<vmem>>, vector<16xi32>,
        %gt3A = arith.cmpi sgt, %get3A_202, %broadcast_in_dim3A_174 : vector<16xi32>
        %convert_element_type3A = arith.extui %gt3A : vector<16xi1> to vector<16xi32>
        %add3A_203 = arith.addi %scan3A_192, %convert_element_type3A : vector<16xi32>
        %mul3A_204 = arith.constant 8 : i32
        %mul3A_205 = arith.muli %scan3A_191, %mul3A_204 : i32
        %add3A_206 = arith.constant 1 : i32
        %add3A_207 = arith.addi %mul3A_205, %add3A_206 : i32
        %mul3A_208 = arith.constant 16 : i32
        %mul3A_209 = arith.muli %add3A_207, %mul3A_208 : i32
        %get3A_210 = arith.constant 0 : i32
        %get3A_211 = arith.index_cast %get3A_210 : i32 to index
        %get3A_212 = arith.index_cast %mul3A_209 : i32 to index
        %get3A_213 = tpu.vector_load %arg5[%get3A_211, %get3A_212] {strides = array<i32>} : memref<1x2048xi32, #tpu.memory_space<vmem>>, vector<16xi32>,
        %gt3A_214 = arith.cmpi sgt, %get3A_213, %broadcast_in_dim3A_174 : vector<16xi32>
        %convert_element_type3A_215 = arith.extui %gt3A_214 : vector<16xi1> to vector<16xi32>
        %add3A_216 = arith.addi %add3A_203, %convert_element_type3A_215 : vector<16xi32>
        %mul3A_217 = arith.constant 8 : i32
        %mul3A_218 = arith.muli %scan3A_191, %mul3A_217 : i32
        %add3A_219 = arith.constant 2 : i32
        %add3A_220 = arith.addi %mul3A_218, %add3A_219 : i32
        %mul3A_221 = arith.constant 16 : i32
        %mul3A_222 = arith.muli %add3A_220, %mul3A_221 : i32
        %get3A_223 = arith.constant 0 : i32
        %get3A_224 = arith.index_cast %get3A_223 : i32 to index
        %get3A_225 = arith.index_cast %mul3A_222 : i32 to index
        %get3A_226 = tpu.vector_load %arg5[%get3A_224, %get3A_225] {strides = array<i32>} : memref<1x2048xi32, #tpu.memory_space<vmem>>, vector<16xi32>,
        %gt3A_227 = arith.cmpi sgt, %get3A_226, %broadcast_in_dim3A_174 : vector<16xi32>
        %convert_element_type3A_228 = arith.extui %gt3A_227 : vector<16xi1> to vector<16xi32>
        %add3A_229 = arith.addi %add3A_216, %convert_element_type3A_228 : vector<16xi32>
        %mul3A_230 = arith.constant 8 : i32
        %mul3A_231 = arith.muli %scan3A_191, %mul3A_230 : i32
        %add3A_232 = arith.constant 3 : i32
        %add3A_233 = arith.addi %mul3A_231, %add3A_232 : i32
        %mul3A_234 = arith.constant 16 : i32
        %mul3A_235 = arith.muli %add3A_233, %mul3A_234 : i32
        %get3A_236 = arith.constant 0 : i32
        %get3A_237 = arith.index_cast %get3A_236 : i32 to index
        %get3A_238 = arith.index_cast %mul3A_235 : i32 to index
        %get3A_239 = tpu.vector_load %arg5[%get3A_237, %get3A_238] {strides = array<i32>} : memref<1x2048xi32, #tpu.memory_space<vmem>>, vector<16xi32>,
        %gt3A_240 = arith.cmpi sgt, %get3A_239, %broadcast_in_dim3A_174 : vector<16xi32>
        %convert_element_type3A_241 = arith.extui %gt3A_240 : vector<16xi1> to vector<16xi32>
        %add3A_242 = arith.addi %add3A_229, %convert_element_type3A_241 : vector<16xi32>
        %mul3A_243 = arith.constant 8 : i32
        %mul3A_244 = arith.muli %scan3A_191, %mul3A_243 : i32
        %add3A_245 = arith.constant 4 : i32
        %add3A_246 = arith.addi %mul3A_244, %add3A_245 : i32
        %mul3A_247 = arith.constant 16 : i32
        %mul3A_248 = arith.muli %add3A_246, %mul3A_247 : i32
        %get3A_249 = arith.constant 0 : i32
        %get3A_250 = arith.index_cast %get3A_249 : i32 to index
        %get3A_251 = arith.index_cast %mul3A_248 : i32 to index
        %get3A_252 = tpu.vector_load %arg5[%get3A_250, %get3A_251] {strides = array<i32>} : memref<1x2048xi32, #tpu.memory_space<vmem>>, vector<16xi32>,
        %gt3A_253 = arith.cmpi sgt, %get3A_252, %broadcast_in_dim3A_174 : vector<16xi32>
        %convert_element_type3A_254 = arith.extui %gt3A_253 : vector<16xi1> to vector<16xi32>
        %add3A_255 = arith.addi %add3A_242, %convert_element_type3A_254 : vector<16xi32>
        %mul3A_256 = arith.constant 8 : i32
        %mul3A_257 = arith.muli %scan3A_191, %mul3A_256 : i32
        %add3A_258 = arith.constant 5 : i32
        %add3A_259 = arith.addi %mul3A_257, %add3A_258 : i32
        %mul3A_260 = arith.constant 16 : i32
        %mul3A_261 = arith.muli %add3A_259, %mul3A_260 : i32
        %get3A_262 = arith.constant 0 : i32
        %get3A_263 = arith.index_cast %get3A_262 : i32 to index
        %get3A_264 = arith.index_cast %mul3A_261 : i32 to index
        %get3A_265 = tpu.vector_load %arg5[%get3A_263, %get3A_264] {strides = array<i32>} : memref<1x2048xi32, #tpu.memory_space<vmem>>, vector<16xi32>,
        %gt3A_266 = arith.cmpi sgt, %get3A_265, %broadcast_in_dim3A_174 : vector<16xi32>
        %convert_element_type3A_267 = arith.extui %gt3A_266 : vector<16xi1> to vector<16xi32>
        %add3A_268 = arith.addi %add3A_255, %convert_element_type3A_267 : vector<16xi32>
        %mul3A_269 = arith.constant 8 : i32
        %mul3A_270 = arith.muli %scan3A_191, %mul3A_269 : i32
        %add3A_271 = arith.constant 6 : i32
        %add3A_272 = arith.addi %mul3A_270, %add3A_271 : i32
        %mul3A_273 = arith.constant 16 : i32
        %mul3A_274 = arith.muli %add3A_272, %mul3A_273 : i32
        %get3A_275 = arith.constant 0 : i32
        %get3A_276 = arith.index_cast %get3A_275 : i32 to index
        %get3A_277 = arith.index_cast %mul3A_274 : i32 to index
        %get3A_278 = tpu.vector_load %arg5[%get3A_276, %get3A_277] {strides = array<i32>} : memref<1x2048xi32, #tpu.memory_space<vmem>>, vector<16xi32>,
        %gt3A_279 = arith.cmpi sgt, %get3A_278, %broadcast_in_dim3A_174 : vector<16xi32>
        %convert_element_type3A_280 = arith.extui %gt3A_279 : vector<16xi1> to vector<16xi32>
        %add3A_281 = arith.addi %add3A_268, %convert_element_type3A_280 : vector<16xi32>
        %mul3A_282 = arith.constant 8 : i32
        %mul3A_283 = arith.muli %scan3A_191, %mul3A_282 : i32
        %add3A_284 = arith.constant 7 : i32
        %add3A_285 = arith.addi %mul3A_283, %add3A_284 : i32
        %mul3A_286 = arith.constant 16 : i32
        %mul3A_287 = arith.muli %add3A_285, %mul3A_286 : i32
        %get3A_288 = arith.constant 0 : i32
        %get3A_289 = arith.index_cast %get3A_288 : i32 to index
        %get3A_290 = arith.index_cast %mul3A_287 : i32 to index
        %get3A_291 = tpu.vector_load %arg5[%get3A_289, %get3A_290] {strides = array<i32>} : memref<1x2048xi32, #tpu.memory_space<vmem>>, vector<16xi32>,
        %gt3A_292 = arith.cmpi sgt, %get3A_291, %broadcast_in_dim3A_174 : vector<16xi32>
        %convert_element_type3A_293 = arith.extui %gt3A_292 : vector<16xi1> to vector<16xi32>
        %add3A_294 = arith.addi %add3A_281, %convert_element_type3A_293 : vector<16xi32>
        scf.yield %add3A_294 : vector<16xi32>
      }
      %scan3A_182 = arith.constant 16 : i32
      %reduce_sum3A_183 = arith.constant true
      %reduce_sum3A_184 = vector.broadcast %reduce_sum3A_183 : i1 to vector<16xi1>
      %reduce_sum3A_185 = tpu.scan <sum>, %scan3A_181 masked %reduce_sum3A_184 : vector<16xi32>, vector<16xi1> -> vector<16xi32>
      %reduce_sum3A_186 = vector.extract %reduce_sum3A_185[15] : i32 from vector<16xi32>
      %lt3A = arith.cmpi slt, %reduce_sum3A_186, %reduce_sum3A_119 : i32
      %add3A_187 = arith.constant 1 : i32
      %add3A_188 = arith.addi %shift_right_logical3A_173, %add3A_187 : i32
      %select_n3A_189 = arith.select %lt3A, %while3A_170, %add3A_188 : i32
      %select_n3A_190 = arith.select %lt3A, %shift_right_logical3A_173, %while3A_171 : i32
      scf.yield %select_n3A_189, %select_n3A_190 : i32, i32
    }
    %broadcast_in_dim3A_147 = vector.broadcast %while3A_146#0 : i32 to vector<16xi32>
    %broadcast_in_dim3A_148 = arith.constant 0 : i32
    %broadcast_in_dim3A_149 = vector.broadcast %broadcast_in_dim3A_148 : i32 to vector<16xi32>
    %scan3A_150 = arith.constant 0 : i32
    %scan3A_151 = arith.constant 16 : i32
    %scan3A_152 = arith.addi %scan3A_150, %scan3A_151 : i32
    %scan3A_153 = arith.constant 1 : i32
    %scan3A_154 = scf.for %scan3A_170 = %scan3A_150 to %scan3A_152 step %scan3A_153 iter_args(%scan3A_171 = %broadcast_in_dim3A_149) -> (vector<16xi32>)  : i32 {
      %mul3A_172 = arith.constant 8 : i32
      %mul3A_173 = arith.muli %scan3A_170, %mul3A_172 : i32
      %add3A_174 = arith.constant 0 : i32
      %add3A_175 = arith.addi %mul3A_173, %add3A_174 : i32
      %mul3A_176 = arith.constant 16 : i32
      %mul3A_177 = arith.muli %add3A_175, %mul3A_176 : i32
      %get3A_178 = arith.constant 0 : i32
      %get3A_179 = arith.index_cast %get3A_178 : i32 to index
      %get3A_180 = arith.index_cast %mul3A_177 : i32 to index
      %get3A_181 = tpu.vector_load %arg5[%get3A_179, %get3A_180] {strides = array<i32>} : memref<1x2048xi32, #tpu.memory_space<vmem>>, vector<16xi32>,
      %gt3A = arith.cmpi sgt, %get3A_181, %broadcast_in_dim3A_147 : vector<16xi32>
      %convert_element_type3A = arith.extui %gt3A : vector<16xi1> to vector<16xi32>
      %add3A_182 = arith.addi %scan3A_171, %convert_element_type3A : vector<16xi32>
      %mul3A_183 = arith.constant 8 : i32
      %mul3A_184 = arith.muli %scan3A_170, %mul3A_183 : i32
      %add3A_185 = arith.constant 1 : i32
      %add3A_186 = arith.addi %mul3A_184, %add3A_185 : i32
      %mul3A_187 = arith.constant 16 : i32
      %mul3A_188 = arith.muli %add3A_186, %mul3A_187 : i32
      %get3A_189 = arith.constant 0 : i32
      %get3A_190 = arith.index_cast %get3A_189 : i32 to index
      %get3A_191 = arith.index_cast %mul3A_188 : i32 to index
      %get3A_192 = tpu.vector_load %arg5[%get3A_190, %get3A_191] {strides = array<i32>} : memref<1x2048xi32, #tpu.memory_space<vmem>>, vector<16xi32>,
      %gt3A_193 = arith.cmpi sgt, %get3A_192, %broadcast_in_dim3A_147 : vector<16xi32>
      %convert_element_type3A_194 = arith.extui %gt3A_193 : vector<16xi1> to vector<16xi32>
      %add3A_195 = arith.addi %add3A_182, %convert_element_type3A_194 : vector<16xi32>
      %mul3A_196 = arith.constant 8 : i32
      %mul3A_197 = arith.muli %scan3A_170, %mul3A_196 : i32
      %add3A_198 = arith.constant 2 : i32
      %add3A_199 = arith.addi %mul3A_197, %add3A_198 : i32
      %mul3A_200 = arith.constant 16 : i32
      %mul3A_201 = arith.muli %add3A_199, %mul3A_200 : i32
      %get3A_202 = arith.constant 0 : i32
      %get3A_203 = arith.index_cast %get3A_202 : i32 to index
      %get3A_204 = arith.index_cast %mul3A_201 : i32 to index
      %get3A_205 = tpu.vector_load %arg5[%get3A_203, %get3A_204] {strides = array<i32>} : memref<1x2048xi32, #tpu.memory_space<vmem>>, vector<16xi32>,
      %gt3A_206 = arith.cmpi sgt, %get3A_205, %broadcast_in_dim3A_147 : vector<16xi32>
      %convert_element_type3A_207 = arith.extui %gt3A_206 : vector<16xi1> to vector<16xi32>
      %add3A_208 = arith.addi %add3A_195, %convert_element_type3A_207 : vector<16xi32>
      %mul3A_209 = arith.constant 8 : i32
      %mul3A_210 = arith.muli %scan3A_170, %mul3A_209 : i32
      %add3A_211 = arith.constant 3 : i32
      %add3A_212 = arith.addi %mul3A_210, %add3A_211 : i32
      %mul3A_213 = arith.constant 16 : i32
      %mul3A_214 = arith.muli %add3A_212, %mul3A_213 : i32
      %get3A_215 = arith.constant 0 : i32
      %get3A_216 = arith.index_cast %get3A_215 : i32 to index
      %get3A_217 = arith.index_cast %mul3A_214 : i32 to index
      %get3A_218 = tpu.vector_load %arg5[%get3A_216, %get3A_217] {strides = array<i32>} : memref<1x2048xi32, #tpu.memory_space<vmem>>, vector<16xi32>,
      %gt3A_219 = arith.cmpi sgt, %get3A_218, %broadcast_in_dim3A_147 : vector<16xi32>
      %convert_element_type3A_220 = arith.extui %gt3A_219 : vector<16xi1> to vector<16xi32>
      %add3A_221 = arith.addi %add3A_208, %convert_element_type3A_220 : vector<16xi32>
      %mul3A_222 = arith.constant 8 : i32
      %mul3A_223 = arith.muli %scan3A_170, %mul3A_222 : i32
      %add3A_224 = arith.constant 4 : i32
      %add3A_225 = arith.addi %mul3A_223, %add3A_224 : i32
      %mul3A_226 = arith.constant 16 : i32
      %mul3A_227 = arith.muli %add3A_225, %mul3A_226 : i32
      %get3A_228 = arith.constant 0 : i32
      %get3A_229 = arith.index_cast %get3A_228 : i32 to index
      %get3A_230 = arith.index_cast %mul3A_227 : i32 to index
      %get3A_231 = tpu.vector_load %arg5[%get3A_229, %get3A_230] {strides = array<i32>} : memref<1x2048xi32, #tpu.memory_space<vmem>>, vector<16xi32>,
      %gt3A_232 = arith.cmpi sgt, %get3A_231, %broadcast_in_dim3A_147 : vector<16xi32>
      %convert_element_type3A_233 = arith.extui %gt3A_232 : vector<16xi1> to vector<16xi32>
      %add3A_234 = arith.addi %add3A_221, %convert_element_type3A_233 : vector<16xi32>
      %mul3A_235 = arith.constant 8 : i32
      %mul3A_236 = arith.muli %scan3A_170, %mul3A_235 : i32
      %add3A_237 = arith.constant 5 : i32
      %add3A_238 = arith.addi %mul3A_236, %add3A_237 : i32
      %mul3A_239 = arith.constant 16 : i32
      %mul3A_240 = arith.muli %add3A_238, %mul3A_239 : i32
      %get3A_241 = arith.constant 0 : i32
      %get3A_242 = arith.index_cast %get3A_241 : i32 to index
      %get3A_243 = arith.index_cast %mul3A_240 : i32 to index
      %get3A_244 = tpu.vector_load %arg5[%get3A_242, %get3A_243] {strides = array<i32>} : memref<1x2048xi32, #tpu.memory_space<vmem>>, vector<16xi32>,
      %gt3A_245 = arith.cmpi sgt, %get3A_244, %broadcast_in_dim3A_147 : vector<16xi32>
      %convert_element_type3A_246 = arith.extui %gt3A_245 : vector<16xi1> to vector<16xi32>
      %add3A_247 = arith.addi %add3A_234, %convert_element_type3A_246 : vector<16xi32>
      %mul3A_248 = arith.constant 8 : i32
      %mul3A_249 = arith.muli %scan3A_170, %mul3A_248 : i32
      %add3A_250 = arith.constant 6 : i32
      %add3A_251 = arith.addi %mul3A_249, %add3A_250 : i32
      %mul3A_252 = arith.constant 16 : i32
      %mul3A_253 = arith.muli %add3A_251, %mul3A_252 : i32
      %get3A_254 = arith.constant 0 : i32
      %get3A_255 = arith.index_cast %get3A_254 : i32 to index
      %get3A_256 = arith.index_cast %mul3A_253 : i32 to index
      %get3A_257 = tpu.vector_load %arg5[%get3A_255, %get3A_256] {strides = array<i32>} : memref<1x2048xi32, #tpu.memory_space<vmem>>, vector<16xi32>,
      %gt3A_258 = arith.cmpi sgt, %get3A_257, %broadcast_in_dim3A_147 : vector<16xi32>
      %convert_element_type3A_259 = arith.extui %gt3A_258 : vector<16xi1> to vector<16xi32>
      %add3A_260 = arith.addi %add3A_247, %convert_element_type3A_259 : vector<16xi32>
      %mul3A_261 = arith.constant 8 : i32
      %mul3A_262 = arith.muli %scan3A_170, %mul3A_261 : i32
      %add3A_263 = arith.constant 7 : i32
      %add3A_264 = arith.addi %mul3A_262, %add3A_263 : i32
      %mul3A_265 = arith.constant 16 : i32
      %mul3A_266 = arith.muli %add3A_264, %mul3A_265 : i32
      %get3A_267 = arith.constant 0 : i32
      %get3A_268 = arith.index_cast %get3A_267 : i32 to index
      %get3A_269 = arith.index_cast %mul3A_266 : i32 to index
      %get3A_270 = tpu.vector_load %arg5[%get3A_268, %get3A_269] {strides = array<i32>} : memref<1x2048xi32, #tpu.memory_space<vmem>>, vector<16xi32>,
      %gt3A_271 = arith.cmpi sgt, %get3A_270, %broadcast_in_dim3A_147 : vector<16xi32>
      %convert_element_type3A_272 = arith.extui %gt3A_271 : vector<16xi1> to vector<16xi32>
      %add3A_273 = arith.addi %add3A_260, %convert_element_type3A_272 : vector<16xi32>
      scf.yield %add3A_273 : vector<16xi32>
    }
    %scan3A_155 = arith.constant 16 : i32
    %reduce_sum3A_156 = arith.constant true
    %reduce_sum3A_157 = vector.broadcast %reduce_sum3A_156 : i1 to vector<16xi1>
    %reduce_sum3A_158 = tpu.scan <sum>, %scan3A_154 masked %reduce_sum3A_157 : vector<16xi32>, vector<16xi1> -> vector<16xi32>
    %reduce_sum3A_159 = vector.extract %reduce_sum3A_158[15] : i32 from vector<16xi32>
    %sub3A_160 = arith.subi %reduce_sum3A_119, %reduce_sum3A_159 : i32
    %broadcast_in_dim3A_161 = vector.broadcast %while3A_146#0 : i32 to vector<16xi32>
    %broadcast_in_dim3A_162 = vector.broadcast %sub3A_160 : i32 to vector<16xi32>
    %scan3A_163 = arith.constant 0 : i32
    %scan3A_164 = arith.constant 0 : i32
    %scan3A_165 = arith.constant 128 : i32
    %scan3A_166 = arith.addi %scan3A_164, %scan3A_165 : i32
    %scan3A_167 = arith.constant 1 : i32
    %scan3A_168 = scf.for %scan3A_170 = %scan3A_164 to %scan3A_166 step %scan3A_167 iter_args(%scan3A_171 = %scan3A_163) -> (i32)  : i32 {
      %mul3A_172 = arith.constant 16 : i32
      %mul3A_173 = arith.muli %scan3A_170, %mul3A_172 : i32
      %get3A_174 = arith.constant 0 : i32
      %get3A_175 = arith.index_cast %get3A_174 : i32 to index
      %get3A_176 = arith.index_cast %mul3A_173 : i32 to index
      %get3A_177 = tpu.vector_load %arg5[%get3A_175, %get3A_176] {strides = array<i32>} : memref<1x2048xi32, #tpu.memory_space<vmem>>, vector<16xi32>,
      %eq3A_178 = arith.cmpi eq, %get3A_177, %broadcast_in_dim3A_161 : vector<16xi32>
      %convert_element_type3A = arith.extui %eq3A_178 : vector<16xi1> to vector<16xi32>
      %broadcast_in_dim3A_179 = arith.constant true
      %broadcast_in_dim3A_180 = vector.broadcast %broadcast_in_dim3A_179 : i1 to vector<16xi1>
      %masked_cumsum3A = tpu.scan <sum>, %convert_element_type3A masked %broadcast_in_dim3A_180 : vector<16xi32>, vector<16xi1> -> vector<16xi32>
      %sub3A_181 = arith.subi %masked_cumsum3A, %convert_element_type3A : vector<16xi32>
      %gt3A = arith.cmpi sgt, %get3A_177, %broadcast_in_dim3A_161 : vector<16xi32>
      %broadcast_in_dim3A_182 = vector.broadcast %scan3A_171 : i32 to vector<16xi32>
      %add3A_183 = arith.addi %sub3A_181, %broadcast_in_dim3A_182 : vector<16xi32>
      %lt3A = arith.cmpi slt, %add3A_183, %broadcast_in_dim3A_162 : vector<16xi32>
      %and3A_184 = arith.andi %eq3A_178, %lt3A : vector<16xi1>
      %or3A = arith.ori %gt3A, %and3A_184 : vector<16xi1>
      %jit3A_185 = arith.constant 0 : i32
      %broadcast_in_dim3A_186 = vector.broadcast %jit3A_185 : i32 to vector<16xi32>
      %select_n3A_187 = arith.select %or3A, %get3A_177, %broadcast_in_dim3A_186 : vector<16xi1>, vector<16xi32>
      %mul3A_188 = arith.constant 16 : i32
      %mul3A_189 = arith.muli %scan3A_170, %mul3A_188 : i32
      %swap3A = arith.constant 0 : i32
      %swap3A_190 = arith.index_cast %swap3A : i32 to index
      %swap3A_191 = arith.index_cast %mul3A_189 : i32 to index
      %swap3A_192 = tpu.vector_load %arg6[%swap3A_190, %swap3A_191] {strides = array<i32>} : memref<1x2048xi32, #tpu.memory_space<vmem>>, vector<16xi32>,
      tpu.vector_store %arg6[%swap3A_190, %swap3A_191], %select_n3A_187 {strides = array<i32>} : memref<1x2048xi32, #tpu.memory_space<vmem>>, vector<16xi32>,
      %reduce_sum3A_193 = arith.constant true
      %reduce_sum3A_194 = vector.broadcast %reduce_sum3A_193 : i1 to vector<16xi1>
      %reduce_sum3A_195 = tpu.scan <sum>, %convert_element_type3A masked %reduce_sum3A_194 : vector<16xi32>, vector<16xi1> -> vector<16xi32>
      %reduce_sum3A_196 = vector.extract %reduce_sum3A_195[15] : i32 from vector<16xi32>
      %add3A_197 = arith.addi %scan3A_171, %reduce_sum3A_196 : i32
      scf.yield %add3A_197 : i32
    }
    %scan3A_169 = arith.constant 128 : i32
    "tpu.region"() ({
      %run_scoped3A = tpu.sem_alloc : memref<!tpu.dma_semaphore, #tpu.memory_space<semaphore_mem>>
      %dma_start3A = arith.constant 0 : i32
      %dma_start3A_170 = tpu.memref_slice %arg4[%add3A_80, %dma_start3A] : memref<64x2048xi32, #tpu.memory_space<hbm>> -> memref<1x2048xi32, #tpu.memory_space<hbm>>
      %dma_start3A_171 = arith.constant 0 : i32
      %dma_start3A_172 = tpu.memref_slice %arg4[%add3A_80, %dma_start3A_171] : memref<64x2048xi32, #tpu.memory_space<hbm>> -> memref<1x2048xi32, #tpu.memory_space<hbm>>
      tpu.enqueue_dma source(%arg6 : memref<1x2048xi32, #tpu.memory_space<vmem>>) target(%dma_start3A_172 : memref<1x2048xi32, #tpu.memory_space<hbm>>) target_semaphore(%run_scoped3A : memref<!tpu.dma_semaphore, #tpu.memory_space<semaphore_mem>>)
      %dma_wait3A = arith.constant 0 : i32
      %dma_wait3A_173 = tpu.memref_slice %arg4[%add3A_80, %dma_wait3A] : memref<64x2048xi32, #tpu.memory_space<hbm>> -> memref<1x2048xi32, #tpu.memory_space<hbm>>
      %dma_wait3A_174 = arith.constant 0 : i32
      %dma_wait3A_175 = tpu.memref_slice %arg4[%add3A_80, %dma_wait3A_174] : memref<64x2048xi32, #tpu.memory_space<hbm>> -> memref<1x2048xi32, #tpu.memory_space<hbm>>
      tpu.wait_dma2 semaphore(%run_scoped3A : memref<!tpu.dma_semaphore, #tpu.memory_space<semaphore_mem>>) src(%arg6 : memref<1x2048xi32, #tpu.memory_space<vmem>>) dst(%dma_wait3A_175 : memref<1x2048xi32, #tpu.memory_space<hbm>>)
      tpu.yield
    }) : () -> ()
    return
  }
}

module attributes {stable_mosaic.version = 14 : i64} {
  func.func @_att_body(%arg0: memref<64x4x2048xf32, #tpu.memory_space<vmem>>, %arg1: memref<3x128x2048xf32, #tpu.memory_space<vmem>>, %arg2: memref<3x128xf32, #tpu.memory_space<vmem>>, %arg3: memref<3x2048x128xf32, #tpu.memory_space<vmem>>, %arg4: memref<3x2048xf32, #tpu.memory_space<vmem>>, %arg5: memref<3x2048xf32, #tpu.memory_space<vmem>>, %arg6: memref<1x3xf32, #tpu.memory_space<vmem>>, %arg7: memref<128x2048xf32, #tpu.memory_space<vmem>>, %arg8: memref<1x128xf32, #tpu.memory_space<vmem>>, %arg9: memref<1x128xf32, #tpu.memory_space<vmem>>, %arg10: memref<64x1xf32, #tpu.memory_space<vmem>>, %arg11: memref<64x2048xi32, #tpu.memory_space<vmem>>, %arg12: memref<64x3xf32, #tpu.memory_space<vmem>>, %arg13: memref<64x1xi32, #tpu.memory_space<vmem>>) attributes {dimension_semantics = [], scalar_prefetch = 0 : i64, scratch_operands = 0 : i64, tpu.core_type = #tpu.core_type<tc>} {
    %get3A = arith.constant 0 : index
    %get3A_0 = arith.constant 0 : index
    %get3A_1 = arith.constant 0 : index
    %get3A_2 = vector.load %arg0[%get3A, %get3A_0, %get3A_1] : memref<64x4x2048xf32, #tpu.memory_space<vmem>>, vector<64x4x2048xf32>
    %slice3A = vector.extract_strided_slice %get3A_2 {offsets = [0, 0, 0], sizes = [64, 1, 2048], strides = [1, 1, 1]} : vector<64x4x2048xf32> to vector<64x1x2048xf32>
    %squeeze3A = vector.shape_cast %slice3A : vector<64x1x2048xf32> to vector<64x2048xf32>
    %slice3A_3 = vector.extract_strided_slice %get3A_2 {offsets = [0, 1, 0], sizes = [64, 1, 2048], strides = [1, 1, 1]} : vector<64x4x2048xf32> to vector<64x1x2048xf32>
    %squeeze3A_4 = vector.shape_cast %slice3A_3 : vector<64x1x2048xf32> to vector<64x2048xf32>
    %add3A = arith.addf %squeeze3A, %squeeze3A_4 : vector<64x2048xf32>
    %slice3A_5 = vector.extract_strided_slice %get3A_2 {offsets = [0, 2, 0], sizes = [64, 1, 2048], strides = [1, 1, 1]} : vector<64x4x2048xf32> to vector<64x1x2048xf32>
    %squeeze3A_6 = vector.shape_cast %slice3A_5 : vector<64x1x2048xf32> to vector<64x2048xf32>
    %add3A_7 = arith.addf %add3A, %squeeze3A_6 : vector<64x2048xf32>
    %slice3A_8 = vector.extract_strided_slice %get3A_2 {offsets = [0, 3, 0], sizes = [64, 1, 2048], strides = [1, 1, 1]} : vector<64x4x2048xf32> to vector<64x1x2048xf32>
    %squeeze3A_9 = vector.shape_cast %slice3A_8 : vector<64x1x2048xf32> to vector<64x2048xf32>
    %add3A_10 = arith.addf %add3A_7, %squeeze3A_9 : vector<64x2048xf32>
    %mul3A = arith.constant 0.00520833349 : f32
    %mul3A_11 = vector.broadcast %mul3A : f32 to vector<64x2048xf32>
    %mul3A_12 = arith.mulf %add3A_10, %mul3A_11 : vector<64x2048xf32>
    %slice3A_13 = vector.extract_strided_slice %get3A_2 {offsets = [0, 0, 0], sizes = [64, 1, 2048], strides = [1, 1, 1]} : vector<64x4x2048xf32> to vector<64x1x2048xf32>
    %squeeze3A_14 = vector.shape_cast %slice3A_13 : vector<64x1x2048xf32> to vector<64x2048xf32>
    %mul3A_15 = arith.constant 0.013888889 : f32
    %mul3A_16 = vector.broadcast %mul3A_15 : f32 to vector<64x2048xf32>
    %mul3A_17 = arith.mulf %squeeze3A_14, %mul3A_16 : vector<64x2048xf32>
    %get3A_18 = arith.constant 0 : index
    %get3A_19 = arith.constant 0 : index
    %get3A_20 = arith.constant 0 : index
    %get3A_21 = vector.load %arg1[%get3A_18, %get3A_19, %get3A_20] : memref<3x128x2048xf32, #tpu.memory_space<vmem>>, vector<1x128x2048xf32>
    %get3A_22 = vector.shape_cast %get3A_21 : vector<1x128x2048xf32> to vector<128x2048xf32>
    %dot_general3A = arith.constant dense<0.000000e+00> : vector<64x128xf32>
    %dot_general3A_23 = tpu.matmul %mul3A_17, %get3A_22, %dot_general3A {dimension_numbers = #tpu.dot_dimension_numbers<[1], [1], [0], [0], [0, 0, 1, 0], [], []>, transpose_lhs_hint = false} : vector<64x2048xf32>, vector<128x2048xf32>, vector<64x128xf32> -> vector<64x128xf32>
    %get3A_24 = arith.constant 0 : index
    %get3A_25 = arith.constant 0 : index
    %get3A_26 = vector.load %arg2[%get3A_24, %get3A_25] : memref<3x128xf32, #tpu.memory_space<vmem>>, vector<1x128xf32>
    %add3A_27 = vector.broadcast %get3A_26 : vector<1x128xf32> to vector<64x128xf32>
    %add3A_28 = arith.addf %dot_general3A_23, %add3A_27 : vector<64x128xf32>
    %max3A = arith.constant 0.000000e+00 : f32
    %max3A_29 = vector.broadcast %max3A : f32 to vector<64x128xf32>
    %max3A_30 = arith.maximumf %add3A_28, %max3A_29 : vector<64x128xf32>
    %get3A_31 = arith.constant 0 : index
    %get3A_32 = arith.constant 0 : index
    %get3A_33 = arith.constant 0 : index
    %get3A_34 = vector.load %arg3[%get3A_31, %get3A_32, %get3A_33] : memref<3x2048x128xf32, #tpu.memory_space<vmem>>, vector<1x2048x128xf32>
    %get3A_35 = vector.shape_cast %get3A_34 : vector<1x2048x128xf32> to vector<2048x128xf32>
    %dot_general3A_36 = arith.constant dense<0.000000e+00> : vector<64x2048xf32>
    %dot_general3A_37 = tpu.matmul %max3A_30, %get3A_35, %dot_general3A_36 {dimension_numbers = #tpu.dot_dimension_numbers<[1], [1], [0], [0], [0, 0, 1, 0], [], []>, transpose_lhs_hint = false} : vector<64x128xf32>, vector<2048x128xf32>, vector<64x2048xf32> -> vector<64x2048xf32>
    %get3A_38 = arith.constant 0 : index
    %get3A_39 = arith.constant 0 : index
    %get3A_40 = vector.load %arg4[%get3A_38, %get3A_39] : memref<3x2048xf32, #tpu.memory_space<vmem>>, vector<1x2048xf32>
    %add3A_41 = vector.broadcast %get3A_40 : vector<1x2048xf32> to vector<64x2048xf32>
    %add3A_42 = arith.addf %dot_general3A_37, %add3A_41 : vector<64x2048xf32>
    %logistic3A = arith.negf %add3A_42 : vector<64x2048xf32>
    %logistic3A_43 = math.exp %logistic3A : vector<64x2048xf32>
    %logistic3A_44 = arith.constant 1.000000e+00 : f32
    %logistic3A_45 = vector.broadcast %logistic3A_44 : f32 to vector<64x2048xf32>
    %logistic3A_46 = arith.addf %logistic3A_45, %logistic3A_43 : vector<64x2048xf32>
    %logistic3A_47 = arith.divf %logistic3A_45, %logistic3A_46 : vector<64x2048xf32>
    %slice3A_48 = vector.extract_strided_slice %get3A_2 {offsets = [0, 1, 0], sizes = [64, 1, 2048], strides = [1, 1, 1]} : vector<64x4x2048xf32> to vector<64x1x2048xf32>
    %squeeze3A_49 = vector.shape_cast %slice3A_48 : vector<64x1x2048xf32> to vector<64x2048xf32>
    %mul3A_50 = arith.constant 0.0178571437 : f32
    %mul3A_51 = vector.broadcast %mul3A_50 : f32 to vector<64x2048xf32>
    %mul3A_52 = arith.mulf %squeeze3A_49, %mul3A_51 : vector<64x2048xf32>
    %get3A_53 = arith.constant 1 : index
    %get3A_54 = arith.constant 0 : index
    %get3A_55 = arith.constant 0 : index
    %get3A_56 = vector.load %arg1[%get3A_53, %get3A_54, %get3A_55] : memref<3x128x2048xf32, #tpu.memory_space<vmem>>, vector<1x128x2048xf32>
    %get3A_57 = vector.shape_cast %get3A_56 : vector<1x128x2048xf32> to vector<128x2048xf32>
    %dot_general3A_58 = arith.constant dense<0.000000e+00> : vector<64x128xf32>
    %dot_general3A_59 = tpu.matmul %mul3A_52, %get3A_57, %dot_general3A_58 {dimension_numbers = #tpu.dot_dimension_numbers<[1], [1], [0], [0], [0, 0, 1, 0], [], []>, transpose_lhs_hint = false} : vector<64x2048xf32>, vector<128x2048xf32>, vector<64x128xf32> -> vector<64x128xf32>
    %get3A_60 = arith.constant 1 : index
    %get3A_61 = arith.constant 0 : index
    %get3A_62 = vector.load %arg2[%get3A_60, %get3A_61] : memref<3x128xf32, #tpu.memory_space<vmem>>, vector<1x128xf32>
    %add3A_63 = vector.broadcast %get3A_62 : vector<1x128xf32> to vector<64x128xf32>
    %add3A_64 = arith.addf %dot_general3A_59, %add3A_63 : vector<64x128xf32>
    %max3A_65 = arith.constant 0.000000e+00 : f32
    %max3A_66 = vector.broadcast %max3A_65 : f32 to vector<64x128xf32>
    %max3A_67 = arith.maximumf %add3A_64, %max3A_66 : vector<64x128xf32>
    %get3A_68 = arith.constant 1 : index
    %get3A_69 = arith.constant 0 : index
    %get3A_70 = arith.constant 0 : index
    %get3A_71 = vector.load %arg3[%get3A_68, %get3A_69, %get3A_70] : memref<3x2048x128xf32, #tpu.memory_space<vmem>>, vector<1x2048x128xf32>
    %get3A_72 = vector.shape_cast %get3A_71 : vector<1x2048x128xf32> to vector<2048x128xf32>
    %dot_general3A_73 = arith.constant dense<0.000000e+00> : vector<64x2048xf32>
    %dot_general3A_74 = tpu.matmul %max3A_67, %get3A_72, %dot_general3A_73 {dimension_numbers = #tpu.dot_dimension_numbers<[1], [1], [0], [0], [0, 0, 1, 0], [], []>, transpose_lhs_hint = false} : vector<64x128xf32>, vector<2048x128xf32>, vector<64x2048xf32> -> vector<64x2048xf32>
    %get3A_75 = arith.constant 1 : index
    %get3A_76 = arith.constant 0 : index
    %get3A_77 = vector.load %arg4[%get3A_75, %get3A_76] : memref<3x2048xf32, #tpu.memory_space<vmem>>, vector<1x2048xf32>
    %add3A_78 = vector.broadcast %get3A_77 : vector<1x2048xf32> to vector<64x2048xf32>
    %add3A_79 = arith.addf %dot_general3A_74, %add3A_78 : vector<64x2048xf32>
    %logistic3A_80 = arith.negf %add3A_79 : vector<64x2048xf32>
    %logistic3A_81 = math.exp %logistic3A_80 : vector<64x2048xf32>
    %logistic3A_82 = arith.constant 1.000000e+00 : f32
    %logistic3A_83 = vector.broadcast %logistic3A_82 : f32 to vector<64x2048xf32>
    %logistic3A_84 = arith.addf %logistic3A_83, %logistic3A_81 : vector<64x2048xf32>
    %logistic3A_85 = arith.divf %logistic3A_83, %logistic3A_84 : vector<64x2048xf32>
    %slice3A_86 = vector.extract_strided_slice %get3A_2 {offsets = [0, 2, 0], sizes = [64, 1, 2048], strides = [1, 1, 1]} : vector<64x4x2048xf32> to vector<64x1x2048xf32>
    %squeeze3A_87 = vector.shape_cast %slice3A_86 : vector<64x1x2048xf32> to vector<64x2048xf32>
    %mul3A_88 = arith.constant 0.0178571437 : f32
    %mul3A_89 = vector.broadcast %mul3A_88 : f32 to vector<64x2048xf32>
    %mul3A_90 = arith.mulf %squeeze3A_87, %mul3A_89 : vector<64x2048xf32>
    %get3A_91 = arith.constant 2 : index
    %get3A_92 = arith.constant 0 : index
    %get3A_93 = arith.constant 0 : index
    %get3A_94 = vector.load %arg1[%get3A_91, %get3A_92, %get3A_93] : memref<3x128x2048xf32, #tpu.memory_space<vmem>>, vector<1x128x2048xf32>
    %get3A_95 = vector.shape_cast %get3A_94 : vector<1x128x2048xf32> to vector<128x2048xf32>
    %dot_general3A_96 = arith.constant dense<0.000000e+00> : vector<64x128xf32>
    %dot_general3A_97 = tpu.matmul %mul3A_90, %get3A_95, %dot_general3A_96 {dimension_numbers = #tpu.dot_dimension_numbers<[1], [1], [0], [0], [0, 0, 1, 0], [], []>, transpose_lhs_hint = false} : vector<64x2048xf32>, vector<128x2048xf32>, vector<64x128xf32> -> vector<64x128xf32>
    %get3A_98 = arith.constant 2 : index
    %get3A_99 = arith.constant 0 : index
    %get3A_100 = vector.load %arg2[%get3A_98, %get3A_99] : memref<3x128xf32, #tpu.memory_space<vmem>>, vector<1x128xf32>
    %add3A_101 = vector.broadcast %get3A_100 : vector<1x128xf32> to vector<64x128xf32>
    %add3A_102 = arith.addf %dot_general3A_97, %add3A_101 : vector<64x128xf32>
    %max3A_103 = arith.constant 0.000000e+00 : f32
    %max3A_104 = vector.broadcast %max3A_103 : f32 to vector<64x128xf32>
    %max3A_105 = arith.maximumf %add3A_102, %max3A_104 : vector<64x128xf32>
    %get3A_106 = arith.constant 2 : index
    %get3A_107 = arith.constant 0 : index
    %get3A_108 = arith.constant 0 : index
    %get3A_109 = vector.load %arg3[%get3A_106, %get3A_107, %get3A_108] : memref<3x2048x128xf32, #tpu.memory_space<vmem>>, vector<1x2048x128xf32>
    %get3A_110 = vector.shape_cast %get3A_109 : vector<1x2048x128xf32> to vector<2048x128xf32>
    %dot_general3A_111 = arith.constant dense<0.000000e+00> : vector<64x2048xf32>
    %dot_general3A_112 = tpu.matmul %max3A_105, %get3A_110, %dot_general3A_111 {dimension_numbers = #tpu.dot_dimension_numbers<[1], [1], [0], [0], [0, 0, 1, 0], [], []>, transpose_lhs_hint = false} : vector<64x128xf32>, vector<2048x128xf32>, vector<64x2048xf32> -> vector<64x2048xf32>
    %get3A_113 = arith.constant 2 : index
    %get3A_114 = arith.constant 0 : index
    %get3A_115 = vector.load %arg4[%get3A_113, %get3A_114] : memref<3x2048xf32, #tpu.memory_space<vmem>>, vector<1x2048xf32>
    %add3A_116 = vector.broadcast %get3A_115 : vector<1x2048xf32> to vector<64x2048xf32>
    %add3A_117 = arith.addf %dot_general3A_112, %add3A_116 : vector<64x2048xf32>
    %logistic3A_118 = arith.negf %add3A_117 : vector<64x2048xf32>
    %logistic3A_119 = math.exp %logistic3A_118 : vector<64x2048xf32>
    %logistic3A_120 = arith.constant 1.000000e+00 : f32
    %logistic3A_121 = vector.broadcast %logistic3A_120 : f32 to vector<64x2048xf32>
    %logistic3A_122 = arith.addf %logistic3A_121, %logistic3A_119 : vector<64x2048xf32>
    %logistic3A_123 = arith.divf %logistic3A_121, %logistic3A_122 : vector<64x2048xf32>
    %get3A_124 = arith.constant 0 : index
    %get3A_125 = arith.constant 0 : index
    %get3A_126 = vector.load %arg5[%get3A_124, %get3A_125] : memref<3x2048xf32, #tpu.memory_space<vmem>>, vector<3x2048xf32>
    %dot_general3A_127 = arith.constant dense<0.000000e+00> : vector<64x3xf32>
    %dot_general3A_128 = tpu.matmul %mul3A_12, %get3A_126, %dot_general3A_127 {dimension_numbers = #tpu.dot_dimension_numbers<[1], [1], [0], [0], [0, 0, 1, 0], [], []>, transpose_lhs_hint = false} : vector<64x2048xf32>, vector<3x2048xf32>, vector<64x3xf32> -> vector<64x3xf32>
    %get3A_129 = arith.constant 0 : index
    %get3A_130 = arith.constant 0 : index
    %get3A_131 = vector.load %arg6[%get3A_129, %get3A_130] : memref<1x3xf32, #tpu.memory_space<vmem>>, vector<1x3xf32>
    %add3A_132 = vector.broadcast %get3A_131 : vector<1x3xf32> to vector<64x3xf32>
    %add3A_133 = arith.addf %dot_general3A_128, %add3A_132 : vector<64x3xf32>
    %reduce_max3A = arith.constant dense<0xFF800000> : vector<64xf32>
    %reduce_max3A_134 = vector.multi_reduction <maximumf>, %add3A_133, %reduce_max3A [1] : vector<64x3xf32> to vector<64xf32>
    %broadcast_in_dim3A = vector.shape_cast %reduce_max3A_134 : vector<64xf32> to vector<64x1xf32>
    %sub3A = vector.broadcast %broadcast_in_dim3A : vector<64x1xf32> to vector<64x3xf32>
    %sub3A_135 = arith.subf %add3A_133, %sub3A : vector<64x3xf32>
    %exp3A = math.exp %sub3A_135 : vector<64x3xf32>
    %reduce_sum3A = arith.constant dense<0.000000e+00> : vector<64xf32>
    %reduce_sum3A_136 = vector.multi_reduction <add>, %exp3A, %reduce_sum3A [1] : vector<64x3xf32> to vector<64xf32>
    %broadcast_in_dim3A_137 = vector.shape_cast %reduce_sum3A_136 : vector<64xf32> to vector<64x1xf32>
    %div3A = vector.broadcast %broadcast_in_dim3A_137 : vector<64x1xf32> to vector<64x3xf32>
    %div3A_138 = arith.divf %exp3A, %div3A : vector<64x3xf32>
    %slice3A_139 = vector.extract_strided_slice %div3A_138 {offsets = [0, 0], sizes = [64, 1], strides = [1, 1]} : vector<64x3xf32> to vector<64x1xf32>
    %mul3A_140 = vector.broadcast %slice3A_139 : vector<64x1xf32> to vector<64x2048xf32>
    %mul3A_141 = arith.mulf %mul3A_140, %logistic3A_47 : vector<64x2048xf32>
    %slice3A_142 = vector.extract_strided_slice %div3A_138 {offsets = [0, 1], sizes = [64, 1], strides = [1, 1]} : vector<64x3xf32> to vector<64x1xf32>
    %mul3A_143 = vector.broadcast %slice3A_142 : vector<64x1xf32> to vector<64x2048xf32>
    %mul3A_144 = arith.mulf %mul3A_143, %logistic3A_85 : vector<64x2048xf32>
    %add3A_145 = arith.addf %mul3A_141, %mul3A_144 : vector<64x2048xf32>
    %slice3A_146 = vector.extract_strided_slice %div3A_138 {offsets = [0, 2], sizes = [64, 1], strides = [1, 1]} : vector<64x3xf32> to vector<64x1xf32>
    %mul3A_147 = vector.broadcast %slice3A_146 : vector<64x1xf32> to vector<64x2048xf32>
    %mul3A_148 = arith.mulf %mul3A_147, %logistic3A_123 : vector<64x2048xf32>
    %add3A_149 = arith.addf %add3A_145, %mul3A_148 : vector<64x2048xf32>
    %get3A_150 = arith.constant 0 : index
    %get3A_151 = arith.constant 0 : index
    %get3A_152 = vector.load %arg7[%get3A_150, %get3A_151] : memref<128x2048xf32, #tpu.memory_space<vmem>>, vector<128x2048xf32>
    %dot_general3A_153 = arith.constant dense<0.000000e+00> : vector<64x128xf32>
    %dot_general3A_154 = tpu.matmul %mul3A_12, %get3A_152, %dot_general3A_153 {dimension_numbers = #tpu.dot_dimension_numbers<[1], [1], [0], [0], [0, 0, 1, 0], [], []>, transpose_lhs_hint = false} : vector<64x2048xf32>, vector<128x2048xf32>, vector<64x128xf32> -> vector<64x128xf32>
    %get3A_155 = arith.constant 0 : index
    %get3A_156 = arith.constant 0 : index
    %get3A_157 = vector.load %arg8[%get3A_155, %get3A_156] : memref<1x128xf32, #tpu.memory_space<vmem>>, vector<1x128xf32>
    %add3A_158 = vector.broadcast %get3A_157 : vector<1x128xf32> to vector<64x128xf32>
    %add3A_159 = arith.addf %dot_general3A_154, %add3A_158 : vector<64x128xf32>
    %max3A_160 = arith.constant 0.000000e+00 : f32
    %max3A_161 = vector.broadcast %max3A_160 : f32 to vector<64x128xf32>
    %max3A_162 = arith.maximumf %add3A_159, %max3A_161 : vector<64x128xf32>
    %get3A_163 = arith.constant 0 : index
    %get3A_164 = arith.constant 0 : index
    %get3A_165 = vector.load %arg9[%get3A_163, %get3A_164] : memref<1x128xf32, #tpu.memory_space<vmem>>, vector<1x128xf32>
    %mul3A_166 = vector.broadcast %get3A_165 : vector<1x128xf32> to vector<64x128xf32>
    %mul3A_167 = arith.mulf %max3A_162, %mul3A_166 : vector<64x128xf32>
    %reduce_sum3A_168 = arith.constant dense<0.000000e+00> : vector<64xf32>
    %reduce_sum3A_169 = vector.multi_reduction <add>, %mul3A_167, %reduce_sum3A_168 [1] : vector<64x128xf32> to vector<64xf32>
    %broadcast_in_dim3A_170 = vector.shape_cast %reduce_sum3A_169 : vector<64xf32> to vector<64x1xf32>
    %get3A_171 = arith.constant 0 : index
    %get3A_172 = arith.constant 0 : index
    %get3A_173 = vector.load %arg10[%get3A_171, %get3A_172] : memref<64x1xf32, #tpu.memory_space<vmem>>, vector<64x1xf32>
    %add3A_174 = arith.addf %broadcast_in_dim3A_170, %get3A_173 : vector<64x1xf32>
    %logistic3A_175 = arith.negf %add3A_174 : vector<64x1xf32>
    %logistic3A_176 = math.exp %logistic3A_175 : vector<64x1xf32>
    %logistic3A_177 = arith.constant 1.000000e+00 : f32
    %logistic3A_178 = vector.broadcast %logistic3A_177 : f32 to vector<64x1xf32>
    %logistic3A_179 = arith.addf %logistic3A_178, %logistic3A_176 : vector<64x1xf32>
    %logistic3A_180 = arith.divf %logistic3A_178, %logistic3A_179 : vector<64x1xf32>
    %mul3A_181 = arith.constant 2.048000e+03 : f32
    %mul3A_182 = vector.broadcast %mul3A_181 : f32 to vector<64x1xf32>
    %mul3A_183 = arith.mulf %logistic3A_180, %mul3A_182 : vector<64x1xf32>
    %convert_element_type3A = arith.fptosi %mul3A_183 : vector<64x1xf32> to vector<64x1xi32>
    %jit3A = arith.constant 1 : i32
    %jit3A_184 = arith.constant 2048 : i32
    %max3A_185 = vector.broadcast %jit3A : i32 to vector<64x1xi32>
    %max3A_186 = arith.maxsi %max3A_185, %convert_element_type3A : vector<64x1xi32>
    %min3A = vector.broadcast %jit3A_184 : i32 to vector<64x1xi32>
    %min3A_187 = arith.minsi %min3A, %max3A_186 : vector<64x1xi32>
    %bitcast_convert_type3A = tpu.bitcast %add3A_149 : vector<64x2048xf32> -> vector<64x2048xi32>
    %swap3A = arith.constant 0 : index
    %swap3A_188 = arith.constant 0 : index
    %swap3A_189 = vector.load %arg11[%swap3A, %swap3A_188] : memref<64x2048xi32, #tpu.memory_space<vmem>>, vector<64x2048xi32>
    tpu.vector_store %arg11[%swap3A, %swap3A_188], %bitcast_convert_type3A {strides = array<i32>} : memref<64x2048xi32, #tpu.memory_space<vmem>>, vector<64x2048xi32>,
    %swap3A_190 = arith.constant 0 : index
    %swap3A_191 = arith.constant 0 : index
    %swap3A_192 = vector.load %arg12[%swap3A_190, %swap3A_191] : memref<64x3xf32, #tpu.memory_space<vmem>>, vector<64x3xf32>
    tpu.vector_store %arg12[%swap3A_190, %swap3A_191], %div3A_138 {strides = array<i32>} : memref<64x3xf32, #tpu.memory_space<vmem>>, vector<64x3xf32>,
    %swap3A_193 = arith.constant 0 : index
    %swap3A_194 = arith.constant 0 : index
    %swap3A_195 = vector.load %arg13[%swap3A_193, %swap3A_194] : memref<64x1xi32, #tpu.memory_space<vmem>>, vector<64x1xi32>
    tpu.vector_store %arg13[%swap3A_193, %swap3A_194], %min3A_187 {strides = array<i32>} : memref<64x1xi32, #tpu.memory_space<vmem>>, vector<64x1xi32>,
    return
  }
}

module attributes {stable_mosaic.version = 14 : i64} {
  func.func @_pool_body(%arg0: i32, %arg1: memref<1x192x2048xf32, #tpu.memory_space<vmem>>, %arg2: memref<1x4x2048xf32, #tpu.memory_space<vmem>>) attributes {dimension_semantics = [#tpu.dimension_semantics<arbitrary>], iteration_bounds = array<i64: 64>, scalar_prefetch = 0 : i64, scratch_operands = 0 : i64, tpu.core_type = #tpu.core_type<tc>, window_params = [{transform_indices = @transform_0, window_bounds = array<i64: 1, 192, 2048>}, {transform_indices = @transform_1, window_bounds = array<i64: 1, 4, 2048>}]} {
    %get3A = arith.constant 0 : index
    %get3A_0 = arith.constant 0 : index
    %get3A_1 = arith.constant 0 : index
    %get3A_2 = vector.load %arg1[%get3A, %get3A_0, %get3A_1] : memref<1x192x2048xf32, #tpu.memory_space<vmem>>, vector<1x192x2048xf32>
    %get3A_3 = vector.shape_cast %get3A_2 : vector<1x192x2048xf32> to vector<192x2048xf32>
    %iota3A = tpu.iota {dimensions = array<i32: 1>} : vector<4x192xi32>
    %jit3A = arith.constant 8 : i32
    %div3A = vector.broadcast %jit3A : i32 to vector<4x192xi32>
    %div3A_4 = arith.divsi %iota3A, %div3A : vector<4x192xi32>
    %sign3A = arith.constant 0 : i32
    %sign3A_5 = vector.broadcast %sign3A : i32 to vector<4x192xi32>
    %sign3A_6 = arith.cmpi sgt, %iota3A, %sign3A_5 : vector<4x192xi32>
    %sign3A_7 = arith.extui %sign3A_6 : vector<4x192xi1> to vector<4x192xi32>
    %sign3A_8 = arith.constant 0 : i32
    %sign3A_9 = vector.broadcast %sign3A_8 : i32 to vector<4x192xi32>
    %sign3A_10 = arith.cmpi slt, %iota3A, %sign3A_9 : vector<4x192xi32>
    %sign3A_11 = arith.extui %sign3A_10 : vector<4x192xi1> to vector<4x192xi32>
    %sign3A_12 = arith.subi %sign3A_7, %sign3A_11 : vector<4x192xi32>
    %sign3A_13 = arith.constant 0 : i32
    %sign3A_14 = arith.cmpi sgt, %jit3A, %sign3A_13 : i32
    %sign3A_15 = arith.extui %sign3A_14 : i1 to i32
    %sign3A_16 = arith.constant 0 : i32
    %sign3A_17 = arith.cmpi slt, %jit3A, %sign3A_16 : i32
    %sign3A_18 = arith.extui %sign3A_17 : i1 to i32
    %sign3A_19 = arith.subi %sign3A_15, %sign3A_18 : i32
    %ne3A = vector.broadcast %sign3A_19 : i32 to vector<4x192xi32>
    %ne3A_20 = arith.cmpi ne, %sign3A_12, %ne3A : vector<4x192xi32>
    %rem3A = vector.broadcast %jit3A : i32 to vector<4x192xi32>
    %rem3A_21 = arith.remsi %iota3A, %rem3A : vector<4x192xi32>
    %ne3A_22 = arith.constant 0 : i32
    %ne3A_23 = vector.broadcast %ne3A_22 : i32 to vector<4x192xi32>
    %ne3A_24 = arith.cmpi ne, %rem3A_21, %ne3A_23 : vector<4x192xi32>
    %and3A = arith.andi %ne3A_20, %ne3A_24 : vector<4x192xi1>
    %sub3A = arith.constant 1 : i32
    %sub3A_25 = vector.broadcast %sub3A : i32 to vector<4x192xi32>
    %sub3A_26 = arith.subi %div3A_4, %sub3A_25 : vector<4x192xi32>
    %select_n3A = arith.select %and3A, %sub3A_26, %div3A_4 : vector<4x192xi1>, vector<4x192xi32>
    %iota3A_27 = tpu.iota {dimensions = array<i32: 0>} : vector<4x192xi32>
    %eq3A = arith.constant 3 : i32
    %eq3A_28 = vector.broadcast %eq3A : i32 to vector<4x192xi32>
    %eq3A_29 = arith.cmpi eq, %iota3A_27, %eq3A_28 : vector<4x192xi32>
    %ge3A = arith.constant 23 : i32
    %ge3A_30 = vector.broadcast %ge3A : i32 to vector<4x192xi32>
    %ge3A_31 = arith.cmpi sge, %select_n3A, %ge3A_30 : vector<4x192xi32>
    %and3A_32 = arith.andi %eq3A_29, %ge3A_31 : vector<4x192xi1>
    %eq3A_33 = arith.constant 0 : i32
    %eq3A_34 = vector.broadcast %eq3A_33 : i32 to vector<4x192xi32>
    %eq3A_35 = arith.cmpi eq, %iota3A_27, %eq3A_34 : vector<4x192xi32>
    %ge3A_36 = arith.constant 0 : i32
    %ge3A_37 = vector.broadcast %ge3A_36 : i32 to vector<4x192xi32>
    %ge3A_38 = arith.cmpi sge, %select_n3A, %ge3A_37 : vector<4x192xi32>
    %and3A_39 = arith.andi %eq3A_35, %ge3A_38 : vector<4x192xi1>
    %lt3A = arith.constant 9 : i32
    %lt3A_40 = vector.broadcast %lt3A : i32 to vector<4x192xi32>
    %lt3A_41 = arith.cmpi slt, %select_n3A, %lt3A_40 : vector<4x192xi32>
    %and3A_42 = arith.andi %and3A_39, %lt3A_41 : vector<4x192xi1>
    %or3A = arith.ori %and3A_32, %and3A_42 : vector<4x192xi1>
    %eq3A_43 = arith.constant 1 : i32
    %eq3A_44 = vector.broadcast %eq3A_43 : i32 to vector<4x192xi32>
    %eq3A_45 = arith.cmpi eq, %iota3A_27, %eq3A_44 : vector<4x192xi32>
    %ge3A_46 = arith.constant 9 : i32
    %ge3A_47 = vector.broadcast %ge3A_46 : i32 to vector<4x192xi32>
    %ge3A_48 = arith.cmpi sge, %select_n3A, %ge3A_47 : vector<4x192xi32>
    %and3A_49 = arith.andi %eq3A_45, %ge3A_48 : vector<4x192xi1>
    %lt3A_50 = arith.constant 16 : i32
    %lt3A_51 = vector.broadcast %lt3A_50 : i32 to vector<4x192xi32>
    %lt3A_52 = arith.cmpi slt, %select_n3A, %lt3A_51 : vector<4x192xi32>
    %and3A_53 = arith.andi %and3A_49, %lt3A_52 : vector<4x192xi1>
    %or3A_54 = arith.ori %or3A, %and3A_53 : vector<4x192xi1>
    %eq3A_55 = arith.constant 2 : i32
    %eq3A_56 = vector.broadcast %eq3A_55 : i32 to vector<4x192xi32>
    %eq3A_57 = arith.cmpi eq, %iota3A_27, %eq3A_56 : vector<4x192xi32>
    %ge3A_58 = arith.constant 16 : i32
    %ge3A_59 = vector.broadcast %ge3A_58 : i32 to vector<4x192xi32>
    %ge3A_60 = arith.cmpi sge, %select_n3A, %ge3A_59 : vector<4x192xi32>
    %and3A_61 = arith.andi %eq3A_57, %ge3A_60 : vector<4x192xi1>
    %lt3A_62 = arith.constant 23 : i32
    %lt3A_63 = vector.broadcast %lt3A_62 : i32 to vector<4x192xi32>
    %lt3A_64 = arith.cmpi slt, %select_n3A, %lt3A_63 : vector<4x192xi32>
    %and3A_65 = arith.andi %and3A_61, %lt3A_64 : vector<4x192xi1>
    %or3A_66 = arith.ori %or3A_54, %and3A_65 : vector<4x192xi1>
    %convert_element_type3A = arith.extui %or3A_66 : vector<4x192xi1> to vector<4x192xi32>
    %convert_element_type3A_67 = arith.sitofp %convert_element_type3A : vector<4x192xi32> to vector<4x192xf32>
    %dot_general3A = arith.constant dense<0.000000e+00> : vector<4x2048xf32>
    %dot_general3A_68 = tpu.matmul %convert_element_type3A_67, %get3A_3, %dot_general3A {dimension_numbers = #tpu.dot_dimension_numbers<[1], [0], [0], [1], [0, 0, 1, 1], [], []>, precision = #tpu.contract_precision<fp32>, transpose_lhs_hint = false} : vector<4x192xf32>, vector<192x2048xf32>, vector<4x2048xf32> -> vector<4x2048xf32>
    %swap3A = arith.constant 0 : index
    %swap3A_69 = arith.constant 0 : index
    %swap3A_70 = arith.constant 0 : index
    %swap3A_71 = vector.load %arg2[%swap3A, %swap3A_69, %swap3A_70] : memref<1x4x2048xf32, #tpu.memory_space<vmem>>, vector<1x4x2048xf32>
    %swap3A_72 = vector.shape_cast %swap3A_71 : vector<1x4x2048xf32> to vector<4x2048xf32>
    %swap3A_73 = vector.shape_cast %dot_general3A_68 : vector<4x2048xf32> to vector<1x4x2048xf32>
    tpu.vector_store %arg2[%swap3A, %swap3A_69, %swap3A_70], %swap3A_73 {strides = array<i32>} : memref<1x4x2048xf32, #tpu.memory_space<vmem>>, vector<1x4x2048xf32>,
    return
  }
  func.func @transform_0(%arg0: i32) -> (i32, i32, i32) {
    %c0_i32 = arith.constant 0 : i32
    %c0_i32_0 = arith.constant 0 : i32
    %c0_i32_1 = arith.constant 0 : i32
    return %arg0, %c0_i32, %c0_i32_0 : i32, i32, i32
  }
  func.func @transform_1(%arg0: i32) -> (i32, i32, i32) {
    %c0_i32 = arith.constant 0 : i32
    %c0_i32_0 = arith.constant 0 : i32
    %c0_i32_1 = arith.constant 0 : i32
    return %arg0, %c0_i32, %c0_i32_0 : i32, i32, i32
  }
}

module attributes {stable_mosaic.version = 14 : i64} {
  func.func @_apply_body(%arg0: i32, %arg1: memref<1x192x2048xf32, #tpu.memory_space<vmem>>, %arg2: memref<1x1x2048xf32, #tpu.memory_space<vmem>>, %arg3: memref<1x192x2048xf32, #tpu.memory_space<vmem>>, %arg4: memref<1x192x2048xf32, #tpu.memory_space<vmem>>) attributes {dimension_semantics = [#tpu.dimension_semantics<arbitrary>], iteration_bounds = array<i64: 64>, scalar_prefetch = 0 : i64, scratch_operands = 0 : i64, tpu.core_type = #tpu.core_type<tc>, window_params = [{transform_indices = @transform_0, window_bounds = array<i64: 1, 192, 2048>}, {transform_indices = @transform_1, window_bounds = array<i64: 1, 1, 2048>}, {transform_indices = @transform_2, window_bounds = array<i64: 1, 192, 2048>}, {transform_indices = @transform_3, window_bounds = array<i64: 1, 192, 2048>}]} {
    %get3A = arith.constant 0 : index
    %get3A_0 = arith.constant 0 : index
    %get3A_1 = arith.constant 0 : index
    %get3A_2 = vector.load %arg1[%get3A, %get3A_0, %get3A_1] : memref<1x192x2048xf32, #tpu.memory_space<vmem>>, vector<1x192x2048xf32>
    %get3A_3 = vector.shape_cast %get3A_2 : vector<1x192x2048xf32> to vector<192x2048xf32>
    %get3A_4 = arith.constant 0 : index
    %get3A_5 = arith.constant 0 : index
    %get3A_6 = arith.constant 0 : index
    %get3A_7 = vector.load %arg2[%get3A_4, %get3A_5, %get3A_6] : memref<1x1x2048xf32, #tpu.memory_space<vmem>>, vector<1x1x2048xf32>
    %get3A_8 = vector.shape_cast %get3A_7 : vector<1x1x2048xf32> to vector<1x2048xf32>
    %mul3A = vector.broadcast %get3A_8 : vector<1x2048xf32> to vector<192x2048xf32>
    %mul3A_9 = arith.mulf %get3A_3, %mul3A : vector<192x2048xf32>
    %swap3A = arith.constant 0 : index
    %swap3A_10 = arith.constant 0 : index
    %swap3A_11 = arith.constant 0 : index
    %swap3A_12 = vector.load %arg3[%swap3A, %swap3A_10, %swap3A_11] : memref<1x192x2048xf32, #tpu.memory_space<vmem>>, vector<1x192x2048xf32>
    %swap3A_13 = vector.shape_cast %swap3A_12 : vector<1x192x2048xf32> to vector<192x2048xf32>
    %swap3A_14 = vector.shape_cast %mul3A_9 : vector<192x2048xf32> to vector<1x192x2048xf32>
    tpu.vector_store %arg3[%swap3A, %swap3A_10, %swap3A_11], %swap3A_14 {strides = array<i32>} : memref<1x192x2048xf32, #tpu.memory_space<vmem>>, vector<1x192x2048xf32>,
    %sub3A = arith.subf %get3A_3, %mul3A_9 : vector<192x2048xf32>
    %swap3A_15 = arith.constant 0 : index
    %swap3A_16 = arith.constant 0 : index
    %swap3A_17 = arith.constant 0 : index
    %swap3A_18 = vector.load %arg4[%swap3A_15, %swap3A_16, %swap3A_17] : memref<1x192x2048xf32, #tpu.memory_space<vmem>>, vector<1x192x2048xf32>
    %swap3A_19 = vector.shape_cast %swap3A_18 : vector<1x192x2048xf32> to vector<192x2048xf32>
    %swap3A_20 = vector.shape_cast %sub3A : vector<192x2048xf32> to vector<1x192x2048xf32>
    tpu.vector_store %arg4[%swap3A_15, %swap3A_16, %swap3A_17], %swap3A_20 {strides = array<i32>} : memref<1x192x2048xf32, #tpu.memory_space<vmem>>, vector<1x192x2048xf32>,
    return
  }
  func.func @transform_0(%arg0: i32) -> (i32, i32, i32) {
    %c0_i32 = arith.constant 0 : i32
    %c0_i32_0 = arith.constant 0 : i32
    %c0_i32_1 = arith.constant 0 : i32
    return %arg0, %c0_i32, %c0_i32_0 : i32, i32, i32
  }
  func.func @transform_1(%arg0: i32) -> (i32, i32, i32) {
    %c0_i32 = arith.constant 0 : i32
    %c0_i32_0 = arith.constant 0 : i32
    %c0_i32_1 = arith.constant 0 : i32
    return %arg0, %c0_i32, %c0_i32_0 : i32, i32, i32
  }
  func.func @transform_2(%arg0: i32) -> (i32, i32, i32) {
    %c0_i32 = arith.constant 0 : i32
    %c0_i32_0 = arith.constant 0 : i32
    %c0_i32_1 = arith.constant 0 : i32
    return %arg0, %c0_i32, %c0_i32_0 : i32, i32, i32
  }
  func.func @transform_3(%arg0: i32) -> (i32, i32, i32) {
    %c0_i32 = arith.constant 0 : i32
    %c0_i32_0 = arith.constant 0 : i32
    %c0_i32_1 = arith.constant 0 : i32
    return %arg0, %c0_i32, %c0_i32_0 : i32, i32, i32
  }
}

</mosaic_0001>

<sc_bundles>
// kernel: kernel.6.cloned.1.call-start
scs
__scs_entry_jumppad:
0x0: {  	(pc) =	sbr.rel $0x88, $3  }
0x1: {  	(tag) =	ssettag $0x0;
	lr =	simm.s32 $0x1  }
0x2: {  	[smem:$0x3F96] =	sst lr;
	_ =	strace $0xD0000000  }
0x3: {  	_ = 	snop  }
0x4: {  	_ = 	snop  }
0x5: {  	_ = 	snop  }
0x6: {  	_ = 	snop  }
0x7: {  	_ = 	snop  }
__scs_overlays_trampoline_lowered:
0x8: {  	[smem:$0x3FA5] =	sst s0  }
0x9: {  	[smem:$0x3FA6] =	sst s1  }
0xa: {  	[smem:$0x3FA7] =	sst s2  }
0xb: {  	[smem:$0x3FA8] =	sst s3  }
0xc: {  	[smem:$0x3FA9] =	sst s4  }
0xd: {  	[smem:$0x3FAA] =	sst s5  }
0xe: {  	[smem:$0x3FAB] =	sst s6  }
0xf: {  	[smem:$0x3FAC] =	sst s7  }
0x10: {  	[smem:$0x3FAD] =	sst s8  }
0x11: {  	[smem:$0x3FAE] =	sst s9;
	s0 =	simm.s32 @!p0 $0x0  }
0x12: {  	s1 =	sld [smem:$0x3F94];
	s0 =	simm.s32 @p0 $0x1  }
0x13: {  	[smem:$0x3FAF] =	sst s0;
	s0 =	simm.s32 @!p1 $0x0  }
0x14: {  	s2 =	sld [smem:$0x3F93];
	s0 =	simm.s32 @p1 $0x1  }
0x15: {  	[smem:$0x3FB0] =	sst s0;
	s0 =	simm.s32 @!p2 $0x0  }
0x16: {  	s3 =	sld [smem:$0x3FDB];
	s0 =	simm.s32 @p2 $0x1  }
0x17: {  	s4 =	simm.s32 $0x1BF5;
	[smem:$0x3FB2] =	sst s0  }
0x18: {  	s0 =	sld [smem:$0x3F95];
	_ =	swait.ge [sflag:s4], $0x0  }
0x19: {  	s7 =	sld [smem:$0x3F96]  }
0x1a: {  	s8 =	sadd.s32 $0xFFFFE003, lr  }
0x1b: {  	s9 =	sadd.s32 $0xFFFFFEF7, lr;
	s5 =	simm.s32 $0xFFFFFFFF;
	p2 =	slt.u32 s8, $0xFFFFF086  }
0x1c: {  	p1 =	slt.u32 s9, $0xF7A;
	s5 =	simm.s32 @!p2 $0x0  }
0x1d: {  	s5 =	simm.s32 @p1 $0x1;
	p0 =	seq.s32 s7, s2  }
0x1e: {  	s7 =	smul.u32 @!p0 $0xF7A, s2;
	p2 =	seq.s32 @!p0 s5, $0x0  }
0x1f: {  	s9 =	smul.u32 $0xF7A, s1;
	s8 =	simm.s32 @!p0 $0x1BF5;
	p2 =	por !p2, p0  }
0x20: {  	[sflag:s8] =	ssyncset.s32 @!p0 $0xFFFFF086;
	s6 =	sadd.s32 @!p0 s3, s7;
	s7 =	simm.s32 @!p0 $0x108  }
0x21: {  	s3 =	sadd.s32 s3, s9;
	s6 =	sadd.s32 @!p0 $0x88, s6;
	s7 =	simm.s32 @p2 $0x1082  }
0x22: {  	[simem:s7], [sflag:s8] =	dma.local @!p0 [hbm:s6], $0xF7A  }
0x23: {  	s9 =	sor.u32 $0xD0000000, s2;
	s6 =	simm.s32 $0x108;
	_ =	swait.ge @!p0 [sflag:s8], $0x0  }
0x24: {  	s3 =	sadd.s32 $0x88, s3;
	s6 =	simm.s32 @!p1 $0x1082;
	[sflag:s4] =	ssyncset.s32 $0xFFFFF086  }
0x25: {  	[simem:s6], [sflag:s4] =	dma.local [hbm:s3], $0xF7A  }
0x26: {  	[smem:$0x3F96] =	sst s1;
	(tag) =	ssettag s2;
	_ =	strace s9  }
0x27: {  	s1 =	sld [smem:$0x3FA6]  }
0x28: {  	s2 =	sld [smem:$0x3FA7]  }
0x29: {  	s4 =	sld [smem:$0x3FA9]  }
0x2a: {  	p0 =	seq.s32 s5, $0x0;
	s5 =	sld [smem:$0x3FAA]  }
0x2b: {  	s6 =	sld [smem:$0x3FAB]  }
0x2c: {  	s7 =	sld [smem:$0x3FAC]  }
0x2d: {  	s3 =	simm.s32 $0x108;
	s8 =	sld [smem:$0x3FAD]  }
0x2e: {  	s3 =	simm.s32 @!p0 $0x1082;
	s9 =	sld [smem:$0x3FAE]  }
0x2f: {  	lr =	sadd.s32 s0, s3;
	s0 =	sld [smem:$0x3FA5]  }
0x30: {  	s3 =	sld [smem:$0x3FA8]  }
0x31: {  	[smem:$0x3FB1] =	sst s10  }
0x32: {  	s10 =	sld [smem:$0x3FAF];
	_ =	sdelay $0x3  }
0x33: {  	p0 =	seq.s32 s10, $0x1;
	s10 =	sld [smem:$0x3FB1];
	_ =	sdelay $0x3  }
0x34: {  	[smem:$0x3FB1] =	sst s10  }
0x35: {  	s10 =	sld [smem:$0x3FB0];
	_ =	sdelay $0x3  }
0x36: {  	p1 =	seq.s32 s10, $0x1;
	s10 =	sld [smem:$0x3FB1];
	_ =	sdelay $0x3  }
0x37: {  	[smem:$0x3FB1] =	sst s10  }
0x38: {  	s10 =	sld [smem:$0x3FB2]  }
0x39: {  	_ = 	snop;
	(pc) =	sbr.ind lr, $3  }
0x3a: {  	_ = 	snop  }
0x3b: {  	_ = 	snop  }
0x3c: {  	p2 =	seq.s32 s10, $0x1;
	s10 =	sld [smem:$0x3FB1]  }
0x3d: {  	_ =	shalt  }
0x3e: {  	_ =	shalt  }
0x3f: {  	_ =	shalt  }
0x40: {  	_ =	shalt  }
0x41: {  	_ =	shalt  }
0x42: {  	_ =	shalt  }
0x43: {  	_ =	shalt  }
0x44: {  	_ =	shalt  }
0x45: {  	_ =	shalt  }
0x46: {  	_ =	shalt  }
0x47: {  	_ =	shalt  }
0x48: {  	_ =	shalt  }
0x49: {  	_ =	shalt  }
0x4a: {  	_ =	shalt  }
0x4b: {  	_ =	shalt  }
0x4c: {  	_ =	shalt  }
0x4d: {  	_ =	shalt  }
0x4e: {  	_ =	shalt  }
0x4f: {  	_ =	shalt  }
0x50: {  	_ =	shalt  }
0x51: {  	_ =	shalt  }
0x52: {  	_ =	shalt  }
0x53: {  	_ =	shalt  }
0x54: {  	_ =	shalt  }
0x55: {  	_ =	shalt  }
0x56: {  	_ =	shalt  }
0x57: {  	_ =	shalt  }
0x58: {  	_ =	shalt  }
0x59: {  	_ =	shalt  }
0x5a: {  	_ =	shalt  }
0x5b: {  	_ =	shalt  }
0x5c: {  	_ =	shalt  }
0x5d: {  	_ =	shalt  }
0x5e: {  	_ =	shalt  }
0x5f: {  	_ =	shalt  }
0x60: {  	_ =	shalt  }
0x61: {  	_ =	shalt  }
0x62: {  	_ =	shalt  }
0x63: {  	_ =	shalt  }
0x64: {  	_ =	shalt  }
0x65: {  	_ =	shalt  }
0x66: {  	_ =	shalt  }
0x67: {  	_ =	shalt  }
0x68: {  	_ =	shalt  }
0x69: {  	_ =	shalt  }
0x6a: {  	_ =	shalt  }
0x6b: {  	_ =	shalt  }
0x6c: {  	_ =	shalt  }
0x6d: {  	_ =	shalt  }
0x6e: {  	_ =	shalt  }
0x6f: {  	_ =	shalt  }
0x70: {  	_ =	shalt  }
0x71: {  	_ =	shalt  }
0x72: {  	_ =	shalt  }
0x73: {  	_ =	shalt  }
0x74: {  	_ =	shalt  }
0x75: {  	_ =	shalt  }
0x76: {  	_ =	shalt  }
0x77: {  	_ =	shalt  }
0x78: {  	_ =	shalt  }
0x79: {  	_ =	shalt  }
0x7a: {  	_ =	shalt  }
0x7b: {  	_ =	shalt  }
0x7c: {  	_ =	shalt  }
0x7d: {  	_ =	shalt  }
0x7e: {  	_ =	shalt  }
0x7f: {  	_ =	shalt  }
0x80: {  	_ =	shalt  }
0x81: {  	_ =	shalt  }
0x82: {  	_ =	shalt  }
0x83: {  	_ =	shalt  }
0x84: {  	_ =	shalt  }
0x85: {  	_ =	shalt  }
0x86: {  	_ =	shalt  }
0x87: {  	_ =	shalt  }
.Lfunc_end0:
.L_simem_size_0:
called_computation_lowered:
.L_overlay_start_0:
0x88: {  	s2 =	sld [smem:$0x3FD9]  }
0x89: {  	s3 =	sld [smem:$0x3FFE];
	_ =	sdelay $0x1  }
0x8a: {  	s1 =	srdreg.scid  }
0x8b: {  	s0 =	sand.u32 $0x1, s1  }
0x8c: {  	s14 =	sshll.u32 s0, $0xA;
	s2 =	sadd.s32 s3, s2  }
0x8d: {  	s2 =	sadd.s32 s2, s14  }
0x8e: {  	[smem:$0x3FBD] =	sst s2  }
0x8f: {  	_ = 	snop  }
0x90: {  	s2 =	sld [smem:$0x3FD0];
	_ =	sdelay $0x2  }
0x91: {  	s15 =	simm.s32 $0xA;
	s4 =	simm.s32 $0x10  }
0x92: {  	[smem:s4], [sflag:s15] =	dma.local [hbm:s2], $0x1  }
0x93: {  	_ =	swait.eq [sflag:s15], $0x1  }
0x94: {  	[sflag:s15] =	ssyncset.done $0x0  }
0x95: {  	s16 =	sld [smem:$0x10];
	[sflag:s15] =	ssyncadd.s32 $0xFFFFFFFF  }
0x96: {  	s17 =	sld [smem:$0x11];
	(tm) =	ssettm $0x1  }
0x97: {  	s18 =	sld [smem:$0x3FFB];
	_ =	sdelay $0x3  }
0x98: {  	_ =	strace s18  }
0x99: {  	s4 =	sld [smem:$0x3FFC];
	_ =	sdelay $0x3  }
0x9a: {  	_ =	strace s4  }
0x9b: {  	s4 =	sld [smem:$0x3FFD];
	_ =	sdelay $0x3  }
0x9c: {  	_ =	strace s4  }
0x9d: {  	_ =	strace $0x8FFFFFFF  }
0x9e: {  	s19 =	sld [smem:$0x3FDB];
	_ =	sdelay $0x1  }
0x9f: {  	s5 =	simm.s32 $_scs_section_size  }
0xa0: {  	s6 =	simm.s32 $_size__tile_overlayer_lowered;
	s7 =	simm.s32 $_tile_overlayer_lowered  }
0xa1: {  	s22 =	simm.s32 $0x1BFF;
	s21 =	sshll.u32 s7, $0x1;
	s4 =	sadd.s32 s5, s19  }
0xa2: {  	s8 =	simm.s32 $0x0;
	s20 =	sshll.u32 s6, $0x1;
	s6 =	sadd.s32 s21, s4  }
0xa3: {  	[timem:s8], [sflag:s22] =	dma.local [hbm:s6], s20  }
0xa4: {  	_ =	swait.ge [sflag:s22], s20  }
0xa5: {  	s5 =	ssub.s32 $0x0, s20;
	[sflag:s22] =	ssyncset.done $0x0  }
0xa6: {  	[sflag:s22] =	ssyncadd.s32 s5;
	_ =	sdelay $0x1  }
0xa7: {  	s23 =	simm.s32 $0x1B8B  }
0xa8: {  	_ =	swait.ge [sflag:s23], $0x1  }
0xa9: {  	[sflag:s23] =	ssyncset.done $0x0  }
0xaa: {  	s25 =	simm.s32 $0x1B8E;
	s24 =	sld [smem:$0x3FFE];
	[sflag:s23] =	ssyncadd.s32 $0xFFFFFFFF  }
0xab: {  	s26 =	simm.s32 $execute0_lowered;
	[smem:$0x3FD2] =	sst s25  }
0xac: {  	s6 =	sshll.u32 s26, $0x1;
	_ =	strace $0x80000046;
	[dreg:$0x1] =	wrdreg $0xFFFFFFFF  }
0xad: {  	s28 =	simm.s32 $_size_execute0_lowered;
	s4 =	sadd.s32 s4, s6;
	[dreg:$0x0] =	wrdreg $0x0  }
0xae: {  	s6 =	sshll.u32 s28, $0x1;
	[dreg:$0x2] =	wrdreg s4  }
0xaf: {  	[dreg:$0x3] =	wrdreg s6  }
0xb0: {  	[dreg:$0x4] =	wrdreg $0xC0  }
0xb1: {  	_ =	task [dreg:s8], $0x5FFFF  }
0xb2: {  	[dreg:$0x1] =	wrdreg $0xFFFFFFFF  }
0xb3: {  	[dreg:$0x0] =	wrdreg $0x60  }
0xb4: {  	[dreg:$0x2] =	wrdreg s17  }
0xb5: {  	[dreg:$0x3] =	wrdreg s24  }
0xb6: {  	[dreg:$0x4] =	wrdreg s16  }
0xb7: {  	[dreg:$0x5] =	wrdreg $0x9  }
0xb8: {  	_ =	task.clear_ibuf [dreg:s8], $0x6FFFF;
	_ =	strace $0x90000046  }
0xb9: {  	s29 =	simm.s32 $0x9;
	_ =	strace $0x80000048  }
0xba: {  	_ =	swait.ge [sflag:s29], $0x1  }
0xbb: {  	[sflag:s29] =	ssyncadd.s32 $0xFFFFFFFF  }
0xbc: {  	_ =	strace $0x90000048  }
0xbd: {  	_ =	sfence  }
0xbe: {  	s30 =	sld [smem:$0x0];
	_ =	sdelay $0x2  }
0xbf: {  	s31 =	sshll.u32 s1, $0xD;
	s1 =	sshrl.u32 s1, $0x2  }
0xc0: {  	s3 =	sand.u32 $0x4000, s31;
	s1 =	sadd.s32 s1, s30  }
0xc1: {  	s0 =	sor.u32 s3, s0;
	s1 =	sshll.u32 s1, $0x11  }
0xc2: {  	s0 =	sor.u32 s1, s0  }
0xc3: {  	s0 =	sadd.s32 $0x8F2B, s0  }
0xc4: {  	[sflag:s0] =	ssyncadd.remote.s32 $0x1  }
0xc5: {  	_ =	sfence.sel $0xFFFF  }
0xc6: {  	[dreg:$0x0] =	wrdreg $0xFFFFFFFF;
	(pc) =	sbr.abs _section_cstart, $3  }
0xc7: {  	[dreg:$0x1] =	wrdreg $0xFFFFFFFF  }
0xc8: {  	_ =	task.clear_ibuf [dreg:s8], $0x2FFFF;
	_ =	strace $0x9FFFFFFF  }
0xc9: {  	(tm) =	ssettm $0x7FFFFFFF  }
tec
execute0_lowered:
.L_overlay_start_1:
0x0: {  	(tag) =	ssettag $0x1  }
0x1: {  	s7 =	rddreg [dreg:$0x0]  }
0x2: {  	s3 =	rddreg [dreg:$0x1]  }
0x3: {  	s8 =	rddreg [dreg:$0x2]  }
0x4: {  	s0 =	rddreg [dreg:$0x3];
	s4 =	srdreg.scid  }
0x5: {  	s2 =	simm.s32 $0x0;
	s1 =	stileid.u32;
	s14 =	simm.s32 $0x800  }
0x6: {  	s15 =	simm.s32 $0x0;
	s4 =	sand.u32 $0x1, s4;
	[smem:$0x7FF] =	sst s2  }
0x7: {  	s5 =	sshll.u32 s1, $0x2;
	s3 =	sadd.s32 $0x1800, s3;
	s9 =	sshll.u32 s1, $0xD  }
0x8: {  	s6 =	sshll.u32 s4, $0x1;
	_ =	strace $0x80000047;
	s4 =	ssub.s32 $0x2, s4  }
0x9: {  	s6 =	sor.u32 s6, s5;
	s13 =	sshrl.u32 s4, $0x1;
	s5 =	sand.u32 $0x30, s5  }
0xa: {  	s10 =	sshll.u32 s6, $0x7;
	s11 =	sor.u32 $0x1, s6;
	s29 =	ssub.s32 s4, s13  }
0xb: {  	s30 =	sand.u32 $0xE, s6;
	s13 =	simm.s32 $0x400;
	s10 =	sor.u32 s9, s10  }
0xc: {  	s12 =	sshll.u32 s11, $0x7;
	s31 =	ssub.s32 s11, s5;
	s10 =	sand.u32 $0x1C300, s10  }
0xd: {  	s11 =	simm.s32 $0x1;
	s9 =	sor.u32 s9, s12;
	s10 =	sshrl.u32 s10, $0x3  }
0xe: {  	s12 =	simm.s32 $0x80;
	s9 =	sand.u32 $0x1C380, s9;
	s4 =	sadd.s32 s7, s10  }
0xf: {  	v2 =	vlaneseq.u32;
	v0 =	vmov s30;
	v1 =	vmov s31;
	s9 =	sshrl.u32 s9, $0x3;
	s6 =	sadd.s32 s8, s10;
	s10 =	simm.s32 $0x1000  }
0x10: {  	vm0 =	veq.s32 v0, v2;
	v0 =	vimm.s32 $0x0;
	vm1 =	veq.s32 v1, v2;
	s7 =	sadd.s32 s7, s9;
	s8 =	sadd.s32 s8, s9;
	s9 =	smax.u32 s29, $0x1  }
.LBB2_1:
0x11: {  	[tilespmem:s10], [sflag:$0x1] =	stream.linear.gather [hbm4b:s3+s2], $0x80, $0x38;
	[tilespmem:$0x1080] =	vst v63  }
0x12: {  	_ =	swait.ge [sflag:s11], $0x80  }
0x13: {  	[sflag:s11] =	ssyncset.done $0x0  }
0x14: {  	[sflag:s11] =	ssyncadd.s32 $0xFFFFFF80  }
0x15: {  	[tilespmem:s2], [sflag:$0x1] =	stream.strided.gather [hbm4b:s4+s12], $0x800, s13, s12, $0x38;
	[tilespmem:$0x1080] =	vst v63  }
0x16: {  	_ =	swait.ge [sflag:s11], $0x800  }
0x17: {  	[sflag:s11] =	ssyncset.done $0x0  }
0x18: {  	s16 =	simm.s32 $0x0;
	[sflag:s11] =	ssyncadd.s32 $0xFFFFF800  }
0x19: {  	v1 =	vld [tilespmem:s16+$0x0];
	_ =	sdelay $0x1  }
0x1a: {  	v2 =	vld [tilespmem:s16+$0x10];
	_ =	sdelay $0x1  }
0x1b: {  	v3 =	vimm.s32 $0x3F800000;
	v4 =	vld [tilespmem:s16+$0x20]  }
0x1c: {  	vm2 =	vlt.s32 v3, v1;
	vm3 =	vgt.s32 v0, v1  }
0x1d: {  	v5 =	vld [tilespmem:s16+$0x30];
	v3 =	vsel vm2, v3, v1;
	v1 =	vsel vm3, v0, v1  }
0x1e: {  	vm2 =	vlt.s32 v3, v2;
	vm3 =	vgt.s32 v1, v2  }
0x1f: {  	v6 =	vld [tilespmem:s16+$0x40];
	v3 =	vsel vm2, v3, v2;
	v1 =	vsel vm3, v1, v2  }
0x20: {  	vm2 =	vlt.s32 v3, v4;
	vm3 =	vgt.s32 v1, v4  }
0x21: {  	v2 =	vld [tilespmem:s16+$0x50];
	v3 =	vsel vm2, v3, v4;
	v1 =	vsel vm3, v1, v4  }
0x22: {  	vm2 =	vlt.s32 v3, v5;
	vm3 =	vgt.s32 v1, v5  }
0x23: {  	v4 =	vld [tilespmem:s16+$0x60];
	v3 =	vsel vm2, v3, v5;
	v7 =	vsel vm3, v1, v5  }
0x24: {  	vm2 =	vlt.s32 v3, v6;
	vm3 =	vgt.s32 v7, v6  }
0x25: {  	v5 =	vsel vm2, v3, v6;
	v6 =	vsel vm3, v7, v6;
	v3 =	vld [tilespmem:s16+$0x70]  }
0x26: {  	s17 =	simm.s32 $0x400;
	v1 =	vld [tilespmem:s5+$0x1000];
	s16 =	simm.s32 $0x80;
	vm2 =	vlt.s32 v5, v2;
	vm3 =	vgt.s32 v6, v2  }
.LBB2_2:
0x27: {  	p0 =	sne.s32 s17, $0x1E00;
	v7 =	vld [tilespmem:s16+$0x0];
	v5 =	vsel vm2, v5, v2;
	v2 =	vsel vm3, v6, v2  }
0x28: {  	vm2 =	vlt.s32 v5, v4;
	vm3 =	vgt.s32 v2, v4  }
0x29: {  	v6 =	vld [tilespmem:s16+$0x10];
	v5 =	vsel vm2, v5, v4;
	v2 =	vsel vm3, v2, v4  }
0x2a: {  	vm2 =	vlt.s32 v5, v3;
	vm3 =	vgt.s32 v2, v3  }
0x2b: {  	v4 =	vld [tilespmem:s16+$0x20];
	v5 =	vsel vm2, v5, v3;
	v2 =	vsel vm3, v2, v3  }
0x2c: {  	vm2 =	vlt.s32 v5, v7;
	vm3 =	vgt.s32 v2, v7  }
0x2d: {  	v3 =	vsel vm2, v5, v7;
	v2 =	vsel vm3, v2, v7;
	v5 =	vld [tilespmem:s16+$0x30]  }
0x2e: {  	vm2 =	vlt.s32 v3, v6;
	vm3 =	vgt.s32 v2, v6  }
0x2f: {  	v3 =	vsel vm2, v3, v6;
	v2 =	vsel vm3, v2, v6;
	v6 =	vld [tilespmem:s16+$0x40]  }
0x30: {  	vm2 =	vlt.s32 v3, v4;
	vm3 =	vgt.s32 v2, v4  }
0x31: {  	v3 =	vsel vm2, v3, v4;
	v4 =	vsel vm3, v2, v4;
	v2 =	vld [tilespmem:s16+$0x50]  }
.Ltmp0:
0x32: {  	vm2 =	vlt.s32 v3, v5;
	vm3 =	vgt.s32 v4, v5;
	(pc) =	sbr.rel @p0 .LBB2_2-.Ltmp0, $4  }
0x33: {  	v3 =	vsel vm2, v3, v5;
	v7 =	vsel vm3, v4, v5;
	v4 =	vld [tilespmem:s16+$0x60]  }
0x34: {  	vm2 =	vlt.s32 v3, v6;
	vm3 =	vgt.s32 v7, v6  }
0x35: {  	v5 =	vsel vm2, v3, v6;
	v6 =	vsel vm3, v7, v6;
	v3 =	vld [tilespmem:s16+$0x70]  }
0x36: {  	s16 =	sshra.s32 s17, $0x2;
	s17 =	sadd.s32 $0x200, s17;
	vm2 =	vlt.s32 v5, v2;
	vm3 =	vgt.s32 v6, v2  }
0x37: {  	v7 =	vld [tilespmem:s16+$0x0];
	v5 =	vsel vm2, v5, v2  }
0x38: {  	v2 =	vsel vm3, v6, v2;
	vm2 =	vlt.s32 v5, v4  }
0x39: {  	v57 =	vld [tilespmem:s16+$0x10];
	vm3 =	vgt.s32 v2, v4;
	v5 =	vsel vm2, v5, v4  }
0x3a: {  	v2 =	vsel vm3, v2, v4;
	vm2 =	vlt.s32 v5, v3  }
0x3b: {  	v58 =	vld [tilespmem:s16+$0x20];
	vm3 =	vgt.s32 v2, v3;
	v5 =	vsel vm2, v5, v3  }
0x3c: {  	v2 =	vsel vm3, v2, v3;
	vm2 =	vlt.s32 v5, v7  }
0x3d: {  	v59 =	vld [tilespmem:s16+$0x30];
	vm3 =	vgt.s32 v2, v7;
	v3 =	vsel vm2, v5, v7  }
0x3e: {  	v2 =	vsel vm3, v2, v7;
	vm2 =	vlt.s32 v3, v57  }
0x3f: {  	v60 =	vld [tilespmem:s16+$0x40];
	vm3 =	vgt.s32 v2, v57;
	v3 =	vsel vm2, v3, v57  }
0x40: {  	v2 =	vsel vm3, v2, v57;
	vm2 =	vlt.s32 v3, v58  }
0x41: {  	v61 =	vld [tilespmem:s16+$0x50];
	vm3 =	vgt.s32 v2, v58;
	v3 =	vsel vm2, v3, v58  }
0x42: {  	v2 =	vsel vm3, v2, v58;
	vm2 =	vlt.s32 v3, v59  }
0x43: {  	v62 =	vld [tilespmem:s16+$0x60];
	vm3 =	vgt.s32 v2, v59;
	v3 =	vsel vm2, v3, v59  }
0x44: {  	v2 =	vsel vm3, v2, v59;
	vm2 =	vlt.s32 v3, v60  }
0x45: {  	v63 =	vld [tilespmem:s16+$0x70];
	vm3 =	vgt.s32 v2, v60;
	v3 =	vsel vm2, v3, v60  }
0x46: {  	v2 =	vsel vm3, v2, v60;
	vm2 =	vlt.s32 v3, v61  }
0x47: {  	vm3 =	vgt.s32 v2, v61;
	v3 =	vsel vm2, v3, v61  }
0x48: {  	v2 =	vsel vm3, v2, v61;
	vm2 =	vlt.s32 v3, v62  }
0x49: {  	vm3 =	vgt.s32 v2, v62;
	v3 =	vsel vm2, v3, v62  }
0x4a: {  	v2 =	vsel vm3, v2, v62;
	vm2 =	vlt.s32 v3, v63  }
0x4b: {  	v1 =	vnsel vm0, $0x0, v1;
	vm3 =	vgt.s32 v2, v63;
	v3 =	vsel vm2, v3, v63  }
0x4c: {  	(xrf0) =	vadd.scan.msk.s32 $0xffff, v1;
	v2 =	vsel vm3, v2, v63;
	v1 =	vxor.u32 $0x80000000, v3  }
0x4d: {  	(xrf0) =	vmin.scan.msk.u32 $0xffff, v1;
	v1 =	vxor.u32 $0x80000000, v2  }
0x4e: {  	(xrf0) =	vmax.scan.msk.u32 $0xffff, v1;
	_ =	sdelay $0x3  }
0x4f: {  	v1, _, _ =	vpop (xrf0)  }
0x50: {  	(v2sf) =	vpush v1, $0xF;
	v2, _, _ =	vpop (xrf0)  }
0x51: {  	(v2sf) =	vpush v2, $0xF;
	v1, _, _ =	vpop (xrf0)  }
0x52: {  	(v2sf) =	vpush v1, $0xF;
	_ =	sdelay $0xc  }
0x53: {  	s16 =	spop (v2sf)  }
0x54: {  	s17 =	spop (v2sf)  }
0x55: {  	s18 =	spop (v2sf)  }
0x56: {  	s17 =	sxor.u32 $0x80000000, s17;
	s18 =	sxor.u32 $0x80000000, s18  }
0x57: {  	p0 =	sge.s32 s17, s18  }
.Ltmp1:
0x58: {  	_ = 	snop;
	(pc) =	sbr.rel @p0 .LBB2_7-.Ltmp1, $1  }
0x59: {  	_ =	sdelay $0x3  }
.LBB2_4:
0x5a: {  	s22 =	simm.s32 $0x0  }
0x5b: {  	v2 =	vld [tilespmem:s22+$0x0]  }
0x5c: {  	v4 =	vld [tilespmem:s22+$0x10]  }
0x5d: {  	s19 =	sadd.s32 s17, s18;
	v6 =	vld [tilespmem:s22+$0x20]  }
0x5e: {  	s19 =	sshrl.u32 s19, $0x1;
	v5 =	vld [tilespmem:s22+$0x30]  }
0x5f: {  	v3 =	vld [tilespmem:s22+$0x40];
	v1 =	vmov s19  }
0x60: {  	vm2 =	vgt.s32 v2, v1;
	v2 =	vld [tilespmem:s22+$0x50]  }
0x61: {  	v7 =	vimm.s32 $0x0;
	v8 =	vsel vm2, $0x1, v0;
	vm2 =	vgt.s32 v4, v1;
	v4 =	vld [tilespmem:s22+$0x60]  }
0x62: {  	s20 =	simm.s32 $0x80;
	s21 =	simm.s32 $0x400;
	v7 =	vadd.s32 v8, v7;
	v8 =	vsel vm2, $0x1, v0;
	vm2 =	vgt.s32 v6, v1;
	v6 =	vld [tilespmem:s22+$0x70]  }
.LBB2_5:
0x63: {  	p0 =	sne.s32 s21, $0x1E00;
	v9 =	vld [tilespmem:s20+$0x0];
	v7 =	vadd.s32 v8, v7;
	v8 =	vsel vm2, $0x1, v0;
	vm2 =	vgt.s32 v5, v1  }
0x64: {  	v10 =	vld [tilespmem:s20+$0x10];
	v5 =	vadd.s32 v8, v7;
	v7 =	vsel vm2, $0x1, v0;
	vm2 =	vgt.s32 v3, v1  }
0x65: {  	v11 =	vld [tilespmem:s20+$0x20];
	v3 =	vadd.s32 v7, v5;
	v7 =	vsel vm2, $0x1, v0;
	vm2 =	vgt.s32 v2, v1  }
.Ltmp2:
0x66: {  	v5 =	vld [tilespmem:s20+$0x30];
	v2 =	vadd.s32 v7, v3;
	v7 =	vsel vm2, $0x1, v0;
	vm2 =	vgt.s32 v4, v1;
	(pc) =	sbr.rel @p0 .LBB2_5-.Ltmp2, $4  }
0x67: {  	v3 =	vld [tilespmem:s20+$0x40];
	v4 =	vadd.s32 v7, v2;
	v7 =	vsel vm2, $0x1, v0;
	vm2 =	vgt.s32 v6, v1  }
0x68: {  	vm3 =	vgt.s32 v9, v1;
	v2 =	vld [tilespmem:s20+$0x50];
	v6 =	vadd.s32 v7, v4;
	v7 =	vsel vm2, $0x1, v0  }
0x69: {  	v8 =	vsel vm3, $0x1, v0;
	vm2 =	vgt.s32 v10, v1;
	v4 =	vld [tilespmem:s20+$0x60];
	v6 =	vadd.s32 v7, v6  }
0x6a: {  	v7 =	vadd.s32 v8, v6;
	v8 =	vsel vm2, $0x1, v0;
	vm2 =	vgt.s32 v11, v1;
	v6 =	vld [tilespmem:s20+$0x70];
	s20 =	sshra.s32 s21, $0x2;
	s21 =	sadd.s32 $0x200, s21  }
0x6b: {  	v9 =	vld [tilespmem:s20+$0x0];
	v7 =	vadd.s32 v8, v7;
	v49 =	vsel vm2, $0x1, v0;
	vm2 =	vgt.s32 v5, v1  }
0x6c: {  	v50 =	vld [tilespmem:s20+$0x10];
	v7 =	vadd.s32 v49, v7;
	v51 =	vsel vm2, $0x1, v0;
	vm2 =	vgt.s32 v3, v1  }
0x6d: {  	v3 =	vld [tilespmem:s20+$0x20];
	v7 =	vadd.s32 v51, v7;
	v52 =	vsel vm2, $0x1, v0;
	vm2 =	vgt.s32 v2, v1  }
0x6e: {  	v2 =	vld [tilespmem:s20+$0x30];
	v7 =	vadd.s32 v52, v7;
	v53 =	vsel vm2, $0x1, v0;
	vm2 =	vgt.s32 v4, v1  }
0x6f: {  	v54 =	vld [tilespmem:s20+$0x40];
	v7 =	vadd.s32 v53, v7;
	v55 =	vsel vm2, $0x1, v0;
	vm2 =	vgt.s32 v6, v1  }
0x70: {  	v56 =	vld [tilespmem:s20+$0x50];
	vm3 =	vgt.s32 v9, v1;
	v7 =	vadd.s32 v55, v7;
	v57 =	vsel vm2, $0x1, v0  }
0x71: {  	v58 =	vld [tilespmem:s20+$0x60];
	vm2 =	vgt.s32 v50, v1;
	v9 =	vsel vm3, $0x1, v0;
	v7 =	vadd.s32 v57, v7  }
0x72: {  	v59 =	vsel vm2, $0x1, v0;
	vm2 =	vgt.s32 v3, v1;
	v3 =	vld [tilespmem:s20+$0x70];
	v7 =	vadd.s32 v9, v7  }
0x73: {  	v60 =	vsel vm2, $0x1, v0;
	vm2 =	vgt.s32 v2, v1;
	v7 =	vadd.s32 v59, v7  }
0x74: {  	v61 =	vsel vm2, $0x1, v0;
	vm2 =	vgt.s32 v54, v1;
	v2 =	vadd.s32 v60, v7  }
0x75: {  	v4 =	vsel vm2, $0x1, v0;
	vm2 =	vgt.s32 v56, v1;
	v2 =	vadd.s32 v61, v2  }
0x76: {  	v62 =	vsel vm2, $0x1, v0;
	vm2 =	vgt.s32 v58, v1;
	v2 =	vadd.s32 v4, v2  }
0x77: {  	v63 =	vsel vm2, $0x1, v0;
	vm2 =	vgt.s32 v3, v1;
	v2 =	vadd.s32 v62, v2  }
0x78: {  	v1 =	vadd.s32 v63, v2;
	v2 =	vsel vm2, $0x1, v0  }
0x79: {  	v1 =	vadd.s32 v2, v1  }
0x7a: {  	(xrf0) =	vadd.scan.msk.s32 $0xffff, v1;
	_ =	sdelay $0x5  }
0x7b: {  	v1, _, _ =	vpop (xrf0)  }
0x7c: {  	(v2sf) =	vpush v1, $0xF;
	_ =	sdelay $0xe  }
0x7d: {  	s31 =	spop (v2sf)  }
0x7e: {  	s20 =	sadd.s32 $0x1, s19;
	p0 =	slt.s32 s31, s16  }
0x7f: {  	s20 =	smov.u32 @p0 s17;
	s18 =	smov.u32 @p0 s19  }
0x80: {  	p0 =	slt.s32 s20, s18  }
.Ltmp3:
0x81: {  	_ = 	snop;
	(pc) =	sbr.rel @p0 .LBB2_4-.Ltmp3, $2  }
0x82: {  	_ =	sdelay $0x2  }
0x83: {  	s17 =	smov.u32 s20  }
.LBB2_7:
0x84: {  	s19 =	simm.s32 $0x0  }
0x85: {  	v2 =	vld [tilespmem:s19+$0x0]  }
0x86: {  	v4 =	vld [tilespmem:s19+$0x10]  }
0x87: {  	v6 =	vld [tilespmem:s19+$0x20]  }
0x88: {  	v5 =	vld [tilespmem:s19+$0x30]  }
0x89: {  	v1 =	vmov s17;
	v3 =	vld [tilespmem:s19+$0x40]  }
0x8a: {  	vm2 =	vgt.s32 v2, v1;
	v2 =	vld [tilespmem:s19+$0x50]  }
0x8b: {  	v7 =	vimm.s32 $0x0;
	v8 =	vsel vm2, $0x1, v0;
	vm2 =	vgt.s32 v4, v1;
	v4 =	vld [tilespmem:s19+$0x60]  }
0x8c: {  	s17 =	simm.s32 $0x80;
	s18 =	simm.s32 $0x400;
	v7 =	vadd.s32 v8, v7;
	v8 =	vsel vm2, $0x1, v0;
	vm2 =	vgt.s32 v6, v1;
	v6 =	vld [tilespmem:s19+$0x70]  }
.LBB2_8:
0x8d: {  	p0 =	sne.s32 s18, $0x1E00;
	v9 =	vld [tilespmem:s17+$0x0];
	v7 =	vadd.s32 v8, v7;
	v8 =	vsel vm2, $0x1, v0;
	vm2 =	vgt.s32 v5, v1  }
0x8e: {  	v10 =	vld [tilespmem:s17+$0x10];
	v5 =	vadd.s32 v8, v7;
	v7 =	vsel vm2, $0x1, v0;
	vm2 =	vgt.s32 v3, v1  }
0x8f: {  	v11 =	vld [tilespmem:s17+$0x20];
	v3 =	vadd.s32 v7, v5;
	v7 =	vsel vm2, $0x1, v0;
	vm2 =	vgt.s32 v2, v1  }
.Ltmp4:
0x90: {  	v5 =	vld [tilespmem:s17+$0x30];
	v2 =	vadd.s32 v7, v3;
	v7 =	vsel vm2, $0x1, v0;
	vm2 =	vgt.s32 v4, v1;
	(pc) =	sbr.rel @p0 .LBB2_8-.Ltmp4, $4  }
0x91: {  	v3 =	vld [tilespmem:s17+$0x40];
	v4 =	vadd.s32 v7, v2;
	v7 =	vsel vm2, $0x1, v0;
	vm2 =	vgt.s32 v6, v1  }
0x92: {  	vm3 =	vgt.s32 v9, v1;
	v2 =	vld [tilespmem:s17+$0x50];
	v6 =	vadd.s32 v7, v4;
	v7 =	vsel vm2, $0x1, v0  }
0x93: {  	v8 =	vsel vm3, $0x1, v0;
	vm2 =	vgt.s32 v10, v1;
	v4 =	vld [tilespmem:s17+$0x60];
	v6 =	vadd.s32 v7, v6  }
0x94: {  	v7 =	vadd.s32 v8, v6;
	v8 =	vsel vm2, $0x1, v0;
	vm2 =	vgt.s32 v11, v1;
	v6 =	vld [tilespmem:s17+$0x70];
	s17 =	sshra.s32 s18, $0x2;
	s18 =	sadd.s32 $0x200, s18  }
0x95: {  	v9 =	vld [tilespmem:s17+$0x0];
	v7 =	vadd.s32 v8, v7;
	v8 =	vsel vm2, $0x1, v0;
	vm2 =	vgt.s32 v5, v1  }
0x96: {  	v5 =	vld [tilespmem:s17+$0x10];
	v7 =	vadd.s32 v8, v7;
	v8 =	vsel vm2, $0x1, v0;
	vm2 =	vgt.s32 v3, v1  }
0x97: {  	v3 =	vld [tilespmem:s17+$0x20];
	v7 =	vadd.s32 v8, v7;
	v8 =	vsel vm2, $0x1, v0;
	vm2 =	vgt.s32 v2, v1  }
0x98: {  	v2 =	vld [tilespmem:s17+$0x30];
	v7 =	vadd.s32 v8, v7;
	v8 =	vsel vm2, $0x1, v0;
	vm2 =	vgt.s32 v4, v1  }
0x99: {  	v4 =	vld [tilespmem:s17+$0x40];
	v7 =	vadd.s32 v8, v7;
	v8 =	vsel vm2, $0x1, v0;
	vm2 =	vgt.s32 v6, v1  }
0x9a: {  	v6 =	vld [tilespmem:s17+$0x50];
	vm3 =	vgt.s32 v9, v1;
	v7 =	vadd.s32 v8, v7;
	v8 =	vsel vm2, $0x1, v0  }
0x9b: {  	vm2 =	vgt.s32 v5, v1;
	v5 =	vld [tilespmem:s17+$0x60];
	v9 =	vsel vm3, $0x1, v0;
	v7 =	vadd.s32 v8, v7  }
0x9c: {  	v8 =	vsel vm2, $0x1, v0;
	vm2 =	vgt.s32 v3, v1;
	v3 =	vld [tilespmem:s17+$0x70];
	v7 =	vadd.s32 v9, v7  }
0x9d: {  	v7 =	vadd.s32 v8, v7;
	v8 =	vsel vm2, $0x1, v0;
	vm2 =	vgt.s32 v2, v1  }
0x9e: {  	v2 =	vadd.s32 v8, v7;
	v7 =	vsel vm2, $0x1, v0;
	vm2 =	vgt.s32 v4, v1  }
0x9f: {  	v2 =	vadd.s32 v7, v2;
	v4 =	vsel vm2, $0x1, v0;
	vm2 =	vgt.s32 v6, v1  }
0xa0: {  	v2 =	vadd.s32 v4, v2;
	v4 =	vsel vm2, $0x1, v0;
	vm2 =	vgt.s32 v5, v1  }
0xa1: {  	v2 =	vadd.s32 v4, v2;
	v4 =	vsel vm2, $0x1, v0;
	vm2 =	vgt.s32 v3, v1  }
0xa2: {  	v2 =	vadd.s32 v4, v2;
	v3 =	vsel vm2, $0x1, v0  }
0xa3: {  	v2 =	vadd.s32 v3, v2  }
0xa4: {  	(xrf0) =	vadd.scan.msk.s32 $0xffff, v2  }
0xa5: {  	s20 =	simm.s32 $0x0  }
0xa6: {  	v10 =	vld [tilespmem:s20+$0x0];
	_ =	sdelay $0x3  }
0xa7: {  	v2, _, _ =	vpop (xrf0)  }
0xa8: {  	s17 =	simm.s32 $0x10;
	vm2 =	veq.s32 v10, v1;
	(v2sf) =	vpush v2, $0xF  }
0xa9: {  	s18 =	simm.s32 $0x20;
	v7 =	vld [tilespmem:s17+$0x0];
	v2 =	vsel vm2, $0x1, v0  }
0xaa: {  	v4 =	vld [tilespmem:s18+$0x0];
	(xrf0) =	vadd.scan.msk.s32 $0xffff, v2;
	_ =	sdelay $0x3  }
0xab: {  	vm3 =	veq.s32 v7, v1  }
0xac: {  	vm4 =	veq.s32 v4, v1;
	v2 =	vsel vm3, $0x1, v0  }
0xad: {  	(xrf0) =	vadd.scan.msk.s32 $0xffff, v2;
	v2 =	vsel vm4, $0x1, v0;
	v6, _, _ =	vpop (xrf0)  }
0xae: {  	(xrf0) =	vadd.scan.msk.s32 $0xffff, v2;
	(v2sf) =	vpush v6, $0xF;
	_ =	sdelay $0x2  }
0xaf: {  	s19 =	simm.s32 $0x30  }
0xb0: {  	v3 =	vld [tilespmem:s19+$0x0]  }
0xb1: {  	vm2 =	vmmov vm2;
	v8, _, _ =	vpop (xrf0)  }
0xb2: {  	vm2 =	vmmov vm2;
	v9, _, _ =	vpop (xrf0);
	s21 =	spop (v2sf);
	(v2sf) =	vpush v8, $0xF  }
0xb3: {  	vm3 =	vmmov vm3;
	vm2 =	vmmov vm2;
	(v2sf) =	vpush v9, $0xF  }
0xb4: {  	vm5 =	vmmov vm2;
	vm2 =	vmmov vm3;
	s16 =	ssub.s32 s16, s21  }
0xb5: {  	vm3 =	vmmov vm4;
	vm4 =	veq.s32 v3, v1;
	v2 =	vmov s16;
	s16 =	simm.s32 $0x40  }
0xb6: {  	s31 =	simm.s32 $0x0;
	v11 =	vsel vm5, $0xFFFFFFFF, v0;
	v12 =	vsel vm4, $0x1, v0;
	v5 =	vld [tilespmem:s16+$0x0]  }
0xb7: {  	v11 =	vadd.s32 s31, v11;
	(xrf0) =	vadd.scan.msk.s32 $0xffff, v12  }
0xb8: {  	vm9 =	vgt.s32 v10, v1;
	v6 =	vadd.s32 v6, v11  }
0xb9: {  	vm6 =	vmmov vm2;
	vm8 =	vmmov vm3;
	vm7 =	vlt.s32 v6, v2  }
0xba: {  	vm2 =	vmmov vm4;
	vm3 =	vmmov vm6;
	vm5 =	vmand vm5, vm7  }
0xbb: {  	v11 =	vsel vm3, $0xFFFFFFFF, v0;
	s21 =	simm.s32 $0x50;
	vm6 =	vmor vm9, vm5;
	vm4 =	veq.s32 v5, v1;
	s22 =	spop (v2sf)  }
0xbc: {  	s23 =	simm.s32 $0x180;
	v6 =	vld [tilespmem:s21+$0x0];
	vm5 =	vmmov vm8;
	v10 =	vnsel vm6, $0x0, v10;
	v12 =	vsel vm4, $0x1, v0;
	s22 =	sadd.s32 $0x0, s22  }
.LBB2_10:
0xbd: {  	p0 =	sne.s32 s23, $0x1FC0;
	(xrf0) =	vadd.scan.msk.s32 $0xffff, v12;
	v12, _, _ =	vpop (xrf0);
	v11 =	vadd.s32 s22, v11;
	[tilespmem:s20+$0x800] =	vst v10;
	v13 =	vmov v3;
	s24 =	smov.u32 s23;
	s23 =	sadd.s32 $0x40, s23  }
.Ltmp5:
0xbe: {  	v3 =	vmovc v5;
	s20 =	smov.u32 s17;
	s17 =	smov.u32 s18;
	(v2sf) =	vpush v12, $0xF;
	v10 =	vadd.s32 v8, v11;
	v8 =	vmovc v9;
	v9 =	vmov v12;
	(pc) =	sbr.rel @p0 .LBB2_10-.Ltmp5, $4  }
0xbf: {  	vm7 =	vmmov vm2;
	vm2 =	vmmov vm4;
	s18 =	smov.u32 s19;
	s19 =	smov.u32 s16;
	s16 =	smov.u32 s21;
	vm6 =	vlt.s32 v10, v2  }
0xc0: {  	vm8 =	vgt.s32 v7, v1;
	vm6 =	vmand vm3, vm6;
	vm3 =	vmmov vm5  }
0xc1: {  	s21 =	sshra.s32 s24, $0x2;
	vm5 =	vmmov vm7;
	vm4 =	veq.s32 v6, v1;
	vm6 =	vmor vm8, vm6;
	s24 =	spop (v2sf);
	v5 =	vmovc v6  }
0xc2: {  	v11 =	vsel vm3, $0xFFFFFFFF, v0;
	v6 =	vld [tilespmem:s21+$0x0];
	v12 =	vsel vm4, $0x1, v0;
	v10 =	vnsel vm6, $0x0, v7;
	s22 =	sadd.s32 s22, s24;
	v7 =	vmovc v4;
	v4 =	vmovc v13  }
0xc3: {  	(xrf0) =	vadd.scan.msk.s32 $0xffff, v12;
	_ =	sdelay $0x4  }
0xc4: {  	v60, _, _ =	vpop (xrf0)  }
0xc5: {  	(v2sf) =	vpush v60, $0xF;
	vm6 =	veq.s32 v6, v1;
	v13, _, _ =	vpop (xrf0)  }
0xc6: {  	v14 =	vsel vm6, $0x1, v0;
	(v2sf) =	vpush v13, $0xF  }
0xc7: {  	(xrf0) =	vadd.scan.msk.s32 $0xffff, v14;
	_ =	sdelay $0x2  }
0xc8: {  	v11 =	vadd.s32 s22, v11  }
0xc9: {  	vm5 =	vmmov vm5;
	vm14 =	vgt.s32 v7, v1;
	v8 =	vadd.s32 v8, v11  }
0xca: {  	s23 =	spop (v2sf);
	vm2 =	vmmov vm2;
	vm15 =	vgt.s32 v3, v1;
	vm7 =	vlt.s32 v8, v2  }
0xcb: {  	s25 =	sadd.s32 s22, s23;
	vm2 =	vmmov vm2;
	v8 =	vsel vm5, $0xFFFFFFFF, v0;
	vm3 =	vmand vm3, vm7;
	v61, _, _ =	vpop (xrf0)  }
0xcc: {  	v8 =	vadd.s32 s25, v8;
	vm3 =	vmor vm14, vm3;
	(v2sf) =	vpush v61, $0xF  }
0xcd: {  	vm2 =	vmmov vm2;
	v8 =	vadd.s32 v9, v8;
	v7 =	vnsel vm3, $0x0, v7  }
0xce: {  	vm3 =	vmmov vm4;
	vm4 =	vlt.s32 v8, v2;
	vm6 =	vmmov vm6  }
0xcf: {  	vm3 =	vmmov vm3;
	vm4 =	vmand vm5, vm4;
	vm5 =	vgt.s32 v4, v1;
	s26 =	spop (v2sf)  }
0xd0: {  	v8 =	vsel vm2, $0xFFFFFFFF, v0;
	vm4 =	vmor vm5, vm4;
	vm3 =	vmmov vm3;
	s22 =	sadd.s32 s25, s26  }
0xd1: {  	v4 =	vnsel vm4, $0x0, v4;
	vm4 =	vmmov vm6;
	v8 =	vadd.s32 s22, v8  }
0xd2: {  	vm3 =	vmmov vm3;
	vm4 =	vmmov vm4;
	v8 =	vadd.s32 v60, v8;
	s28 =	spop (v2sf)  }
0xd3: {  	v62 =	vsel vm3, $0xFFFFFFFF, v0;
	vm4 =	vmmov vm4;
	vm5 =	vlt.s32 v8, v2;
	s22 =	sadd.s32 s22, s28;
	s29 =	spop (v2sf)  }
0xd4: {  	v63 =	vsel vm4, $0xFFFFFFFF, v0;
	vm2 =	vmand vm2, vm5;
	v8 =	vadd.s32 s22, v62;
	s22 =	sadd.s32 s22, s29  }
0xd5: {  	vm2 =	vmor vm15, vm2;
	v8 =	vadd.s32 v13, v8;
	v11 =	vadd.s32 s22, v63  }
0xd6: {  	[tilespmem:s20+$0x800] =	vst v10;
	v3 =	vnsel vm2, $0x0, v3;
	vm2 =	vlt.s32 v8, v2;
	v8 =	vadd.s32 v61, v11  }
0xd7: {  	[tilespmem:s17+$0x800] =	vst v7;
	vm5 =	vgt.s32 v5, v1;
	vm2 =	vmand vm3, vm2;
	vm3 =	vlt.s32 v8, v2  }
0xd8: {  	[tilespmem:s18+$0x800] =	vst v4;
	vm2 =	vmor vm5, vm2;
	vm5 =	vgt.s32 v6, v1;
	vm3 =	vmand vm4, vm3  }
0xd9: {  	[tilespmem:s19+$0x800] =	vst v3;
	v1 =	vnsel vm2, $0x0, v5;
	vm2 =	vmor vm5, vm3  }
0xda: {  	[tilespmem:s16+$0x800] =	vst v1;
	v1 =	vnsel vm2, $0x0, v6  }
0xdb: {  	s30 =	spop (v2sf);
	[tilespmem:s21+$0x800] =	vst v1  }
0xdc: {  	[hbm4b:s6+s12] =	stream.strided.scatter [tilespmem:s14], [sflag:$0x1], $0x800, s13, s12, $0x38;
	[tilespmem:$0x1080] =	vst v63  }
0xdd: {  	_ =	swait.ge [sflag:s11], $0x800  }
0xde: {  	[sflag:s11] =	ssyncset.done $0x0  }
0xdf: {  	s16 =	simm.s32 $0x0;
	[sflag:s11] =	ssyncadd.s32 $0xFFFFF800  }
0xe0: {  	[tilespmem:s16], [sflag:$0x1] =	stream.strided.gather [hbm4b:s7+s12], $0x800, s13, s12, $0x38;
	[tilespmem:$0x1080] =	vst v63  }
0xe1: {  	_ =	swait.ge [sflag:s11], $0x800  }
0xe2: {  	[sflag:s11] =	ssyncset.done $0x0  }
0xe3: {  	s31 =	simm.s32 $0x0;
	[sflag:s11] =	ssyncadd.s32 $0xFFFFF800  }
0xe4: {  	v1 =	vld [tilespmem:s31+$0x0];
	_ =	sdelay $0x1  }
0xe5: {  	v2 =	vld [tilespmem:s31+$0x10];
	_ =	sdelay $0x1  }
0xe6: {  	v4 =	vimm.s32 $0x0;
	v3 =	vimm.s32 $0x3F800000;
	v5 =	vld [tilespmem:s31+$0x20]  }
0xe7: {  	vm2 =	vlt.s32 v3, v1;
	vm3 =	vgt.s32 v4, v1  }
0xe8: {  	v3 =	vsel vm2, v3, v1;
	v1 =	vsel vm3, v4, v1;
	v4 =	vld [tilespmem:s31+$0x30]  }
0xe9: {  	vm2 =	vlt.s32 v3, v2;
	vm3 =	vgt.s32 v1, v2  }
0xea: {  	v6 =	vld [tilespmem:s31+$0x40];
	v3 =	vsel vm2, v3, v2;
	v1 =	vsel vm3, v1, v2  }
0xeb: {  	vm2 =	vlt.s32 v3, v5;
	vm3 =	vgt.s32 v1, v5  }
0xec: {  	v2 =	vld [tilespmem:s31+$0x50];
	v3 =	vsel vm2, v3, v5;
	v1 =	vsel vm3, v1, v5  }
0xed: {  	vm2 =	vlt.s32 v3, v4;
	vm3 =	vgt.s32 v1, v4  }
0xee: {  	v3 =	vsel vm2, v3, v4;
	v7 =	vsel vm3, v1, v4;
	v4 =	vld [tilespmem:s31+$0x60]  }
0xef: {  	vm2 =	vlt.s32 v3, v6;
	vm3 =	vgt.s32 v7, v6  }
0xf0: {  	v5 =	vsel vm2, v3, v6;
	v6 =	vsel vm3, v7, v6;
	v3 =	vld [tilespmem:s31+$0x70]  }
0xf1: {  	s17 =	simm.s32 $0x400;
	s16 =	simm.s32 $0x80;
	v1 =	vld [tilespmem:s5+$0x1000];
	vm2 =	vlt.s32 v5, v2;
	vm3 =	vgt.s32 v6, v2  }
.LBB2_12:
0xf2: {  	p0 =	sne.s32 s17, $0x1E00;
	v7 =	vld [tilespmem:s16+$0x0];
	v5 =	vsel vm2, v5, v2;
	v2 =	vsel vm3, v6, v2  }
0xf3: {  	vm2 =	vlt.s32 v5, v4;
	vm3 =	vgt.s32 v2, v4  }
0xf4: {  	v6 =	vld [tilespmem:s16+$0x10];
	v5 =	vsel vm2, v5, v4;
	v2 =	vsel vm3, v2, v4  }
0xf5: {  	vm2 =	vlt.s32 v5, v3;
	vm3 =	vgt.s32 v2, v3  }
0xf6: {  	v4 =	vld [tilespmem:s16+$0x20];
	v5 =	vsel vm2, v5, v3;
	v2 =	vsel vm3, v2, v3  }
0xf7: {  	vm2 =	vlt.s32 v5, v7;
	vm3 =	vgt.s32 v2, v7  }
0xf8: {  	v3 =	vsel vm2, v5, v7;
	v2 =	vsel vm3, v2, v7;
	v5 =	vld [tilespmem:s16+$0x30]  }
0xf9: {  	vm2 =	vlt.s32 v3, v6;
	vm3 =	vgt.s32 v2, v6  }
0xfa: {  	v3 =	vsel vm2, v3, v6;
	v2 =	vsel vm3, v2, v6;
	v6 =	vld [tilespmem:s16+$0x40]  }
0xfb: {  	vm2 =	vlt.s32 v3, v4;
	vm3 =	vgt.s32 v2, v4  }
0xfc: {  	v3 =	vsel vm2, v3, v4;
	v4 =	vsel vm3, v2, v4;
	v2 =	vld [tilespmem:s16+$0x50]  }
.Ltmp6:
0xfd: {  	vm2 =	vlt.s32 v3, v5;
	vm3 =	vgt.s32 v4, v5;
	(pc) =	sbr.rel @p0 .LBB2_12-.Ltmp6, $4  }
0xfe: {  	v3 =	vsel vm2, v3, v5;
	v7 =	vsel vm3, v4, v5;
	v4 =	vld [tilespmem:s16+$0x60]  }
0xff: {  	vm2 =	vlt.s32 v3, v6;
	vm3 =	vgt.s32 v7, v6  }
0x100: {  	v5 =	vsel vm2, v3, v6;
	v6 =	vsel vm3, v7, v6;
	v3 =	vld [tilespmem:s16+$0x70]  }
0x101: {  	s16 =	sshra.s32 s17, $0x2;
	s17 =	sadd.s32 $0x200, s17;
	vm2 =	vlt.s32 v5, v2;
	vm3 =	vgt.s32 v6, v2  }
0x102: {  	v7 =	vld [tilespmem:s16+$0x0];
	v5 =	vsel vm2, v5, v2  }
0x103: {  	v2 =	vsel vm3, v6, v2;
	vm2 =	vlt.s32 v5, v4  }
0x104: {  	v57 =	vld [tilespmem:s16+$0x10];
	vm3 =	vgt.s32 v2, v4;
	v5 =	vsel vm2, v5, v4  }
0x105: {  	v2 =	vsel vm3, v2, v4;
	vm2 =	vlt.s32 v5, v3  }
0x106: {  	v58 =	vld [tilespmem:s16+$0x20];
	vm3 =	vgt.s32 v2, v3;
	v5 =	vsel vm2, v5, v3  }
0x107: {  	v2 =	vsel vm3, v2, v3;
	vm2 =	vlt.s32 v5, v7  }
0x108: {  	v59 =	vld [tilespmem:s16+$0x30];
	vm3 =	vgt.s32 v2, v7;
	v3 =	vsel vm2, v5, v7  }
0x109: {  	v2 =	vsel vm3, v2, v7;
	vm2 =	vlt.s32 v3, v57  }
0x10a: {  	v60 =	vld [tilespmem:s16+$0x40];
	vm3 =	vgt.s32 v2, v57;
	v3 =	vsel vm2, v3, v57  }
0x10b: {  	v2 =	vsel vm3, v2, v57;
	vm2 =	vlt.s32 v3, v58  }
0x10c: {  	v61 =	vld [tilespmem:s16+$0x50];
	vm3 =	vgt.s32 v2, v58;
	v3 =	vsel vm2, v3, v58  }
0x10d: {  	v2 =	vsel vm3, v2, v58;
	vm2 =	vlt.s32 v3, v59  }
0x10e: {  	v62 =	vld [tilespmem:s16+$0x60];
	vm3 =	vgt.s32 v2, v59;
	v3 =	vsel vm2, v3, v59  }
0x10f: {  	v2 =	vsel vm3, v2, v59;
	vm2 =	vlt.s32 v3, v60  }
0x110: {  	v63 =	vld [tilespmem:s16+$0x70];
	vm3 =	vgt.s32 v2, v60;
	v3 =	vsel vm2, v3, v60  }
0x111: {  	v2 =	vsel vm3, v2, v60;
	vm2 =	vlt.s32 v3, v61  }
0x112: {  	vm3 =	vgt.s32 v2, v61;
	v3 =	vsel vm2, v3, v61  }
0x113: {  	v2 =	vsel vm3, v2, v61;
	vm2 =	vlt.s32 v3, v62  }
0x114: {  	vm3 =	vgt.s32 v2, v62;
	v3 =	vsel vm2, v3, v62  }
0x115: {  	v2 =	vsel vm3, v2, v62;
	vm2 =	vlt.s32 v3, v63  }
0x116: {  	v1 =	vnsel vm1, $0x0, v1;
	vm3 =	vgt.s32 v2, v63;
	v3 =	vsel vm2, v3, v63  }
0x117: {  	(xrf0) =	vadd.scan.msk.s32 $0xffff, v1;
	v2 =	vsel vm3, v2, v63;
	v1 =	vxor.u32 $0x80000000, v3  }
0x118: {  	(xrf0) =	vmin.scan.msk.u32 $0xffff, v1;
	v1 =	vxor.u32 $0x80000000, v2  }
0x119: {  	(xrf0) =	vmax.scan.msk.u32 $0xffff, v1;
	_ =	sdelay $0x3  }
0x11a: {  	v1, _, _ =	vpop (xrf0)  }
0x11b: {  	(v2sf) =	vpush v1, $0xF;
	v2, _, _ =	vpop (xrf0)  }
0x11c: {  	(v2sf) =	vpush v2, $0xF;
	v1, _, _ =	vpop (xrf0)  }
0x11d: {  	(v2sf) =	vpush v1, $0xF;
	_ =	sdelay $0xc  }
0x11e: {  	s16 =	spop (v2sf)  }
0x11f: {  	s17 =	spop (v2sf)  }
0x120: {  	s18 =	spop (v2sf)  }
0x121: {  	s17 =	sxor.u32 $0x80000000, s17;
	s18 =	sxor.u32 $0x80000000, s18  }
0x122: {  	p0 =	sge.s32 s17, s18  }
.Ltmp7:
0x123: {  	_ = 	snop;
	(pc) =	sbr.rel @p0 .LBB2_17-.Ltmp7, $1  }
0x124: {  	_ =	sdelay $0x3  }
.LBB2_14:
0x125: {  	s22 =	simm.s32 $0x0  }
0x126: {  	v2 =	vld [tilespmem:s22+$0x0]  }
0x127: {  	v4 =	vld [tilespmem:s22+$0x10]  }
0x128: {  	s19 =	sadd.s32 s17, s18;
	v6 =	vld [tilespmem:s22+$0x20]  }
0x129: {  	s19 =	sshrl.u32 s19, $0x1;
	v5 =	vld [tilespmem:s22+$0x30]  }
0x12a: {  	v3 =	vld [tilespmem:s22+$0x40];
	v1 =	vmov s19  }
0x12b: {  	vm2 =	vgt.s32 v2, v1;
	v2 =	vld [tilespmem:s22+$0x50]  }
0x12c: {  	v7 =	vimm.s32 $0x0;
	v8 =	vsel vm2, $0x1, v0;
	vm2 =	vgt.s32 v4, v1;
	v4 =	vld [tilespmem:s22+$0x60]  }
0x12d: {  	s20 =	simm.s32 $0x80;
	s21 =	simm.s32 $0x400;
	v7 =	vadd.s32 v8, v7;
	v8 =	vsel vm2, $0x1, v0;
	vm2 =	vgt.s32 v6, v1;
	v6 =	vld [tilespmem:s22+$0x70]  }
.LBB2_15:
0x12e: {  	p0 =	sne.s32 s21, $0x1E00;
	v9 =	vld [tilespmem:s20+$0x0];
	v7 =	vadd.s32 v8, v7;
	v8 =	vsel vm2, $0x1, v0;
	vm2 =	vgt.s32 v5, v1  }
0x12f: {  	v10 =	vld [tilespmem:s20+$0x10];
	v5 =	vadd.s32 v8, v7;
	v7 =	vsel vm2, $0x1, v0;
	vm2 =	vgt.s32 v3, v1  }
0x130: {  	v11 =	vld [tilespmem:s20+$0x20];
	v3 =	vadd.s32 v7, v5;
	v7 =	vsel vm2, $0x1, v0;
	vm2 =	vgt.s32 v2, v1  }
.Ltmp8:
0x131: {  	v5 =	vld [tilespmem:s20+$0x30];
	v2 =	vadd.s32 v7, v3;
	v7 =	vsel vm2, $0x1, v0;
	vm2 =	vgt.s32 v4, v1;
	(pc) =	sbr.rel @p0 .LBB2_15-.Ltmp8, $4  }
0x132: {  	v3 =	vld [tilespmem:s20+$0x40];
	v4 =	vadd.s32 v7, v2;
	v7 =	vsel vm2, $0x1, v0;
	vm2 =	vgt.s32 v6, v1  }
0x133: {  	vm3 =	vgt.s32 v9, v1;
	v2 =	vld [tilespmem:s20+$0x50];
	v6 =	vadd.s32 v7, v4;
	v7 =	vsel vm2, $0x1, v0  }
0x134: {  	v8 =	vsel vm3, $0x1, v0;
	vm2 =	vgt.s32 v10, v1;
	v4 =	vld [tilespmem:s20+$0x60];
	v6 =	vadd.s32 v7, v6  }
0x135: {  	v7 =	vadd.s32 v8, v6;
	v8 =	vsel vm2, $0x1, v0;
	vm2 =	vgt.s32 v11, v1;
	v6 =	vld [tilespmem:s20+$0x70];
	s20 =	sshra.s32 s21, $0x2;
	s21 =	sadd.s32 $0x200, s21  }
0x136: {  	v9 =	vld [tilespmem:s20+$0x0];
	v7 =	vadd.s32 v8, v7;
	v49 =	vsel vm2, $0x1, v0;
	vm2 =	vgt.s32 v5, v1  }
0x137: {  	v50 =	vld [tilespmem:s20+$0x10];
	v7 =	vadd.s32 v49, v7;
	v51 =	vsel vm2, $0x1, v0;
	vm2 =	vgt.s32 v3, v1  }
0x138: {  	v3 =	vld [tilespmem:s20+$0x20];
	v7 =	vadd.s32 v51, v7;
	v52 =	vsel vm2, $0x1, v0;
	vm2 =	vgt.s32 v2, v1  }
0x139: {  	v2 =	vld [tilespmem:s20+$0x30];
	v7 =	vadd.s32 v52, v7;
	v53 =	vsel vm2, $0x1, v0;
	vm2 =	vgt.s32 v4, v1  }
0x13a: {  	v54 =	vld [tilespmem:s20+$0x40];
	v7 =	vadd.s32 v53, v7;
	v55 =	vsel vm2, $0x1, v0;
	vm2 =	vgt.s32 v6, v1  }
0x13b: {  	v56 =	vld [tilespmem:s20+$0x50];
	vm3 =	vgt.s32 v9, v1;
	v7 =	vadd.s32 v55, v7;
	v57 =	vsel vm2, $0x1, v0  }
0x13c: {  	v58 =	vld [tilespmem:s20+$0x60];
	vm2 =	vgt.s32 v50, v1;
	v9 =	vsel vm3, $0x1, v0;
	v7 =	vadd.s32 v57, v7  }
0x13d: {  	v59 =	vsel vm2, $0x1, v0;
	vm2 =	vgt.s32 v3, v1;
	v3 =	vld [tilespmem:s20+$0x70];
	v7 =	vadd.s32 v9, v7  }
0x13e: {  	v60 =	vsel vm2, $0x1, v0;
	vm2 =	vgt.s32 v2, v1;
	v7 =	vadd.s32 v59, v7  }
0x13f: {  	v61 =	vsel vm2, $0x1, v0;
	vm2 =	vgt.s32 v54, v1;
	v2 =	vadd.s32 v60, v7  }
0x140: {  	v4 =	vsel vm2, $0x1, v0;
	vm2 =	vgt.s32 v56, v1;
	v2 =	vadd.s32 v61, v2  }
0x141: {  	v62 =	vsel vm2, $0x1, v0;
	vm2 =	vgt.s32 v58, v1;
	v2 =	vadd.s32 v4, v2  }
0x142: {  	v63 =	vsel vm2, $0x1, v0;
	vm2 =	vgt.s32 v3, v1;
	v2 =	vadd.s32 v62, v2  }
0x143: {  	v1 =	vadd.s32 v63, v2;
	v2 =	vsel vm2, $0x1, v0  }
0x144: {  	v1 =	vadd.s32 v2, v1  }
0x145: {  	(xrf0) =	vadd.scan.msk.s32 $0xffff, v1;
	_ =	sdelay $0x5  }
0x146: {  	v1, _, _ =	vpop (xrf0)  }
0x147: {  	(v2sf) =	vpush v1, $0xF;
	_ =	sdelay $0xe  }
0x148: {  	s31 =	spop (v2sf)  }
0x149: {  	s20 =	sadd.s32 $0x1, s19;
	p0 =	slt.s32 s31, s16  }
0x14a: {  	s20 =	smov.u32 @p0 s17;
	s18 =	smov.u32 @p0 s19  }
0x14b: {  	p0 =	slt.s32 s20, s18  }
.Ltmp9:
0x14c: {  	_ = 	snop;
	(pc) =	sbr.rel @p0 .LBB2_14-.Ltmp9, $2  }
0x14d: {  	_ =	sdelay $0x2  }
0x14e: {  	s17 =	smov.u32 s20  }
.LBB2_17:
0x14f: {  	s19 =	simm.s32 $0x0  }
0x150: {  	v2 =	vld [tilespmem:s19+$0x0]  }
0x151: {  	v4 =	vld [tilespmem:s19+$0x10]  }
0x152: {  	v6 =	vld [tilespmem:s19+$0x20]  }
0x153: {  	v5 =	vld [tilespmem:s19+$0x30]  }
0x154: {  	v1 =	vmov s17;
	v3 =	vld [tilespmem:s19+$0x40]  }
0x155: {  	vm2 =	vgt.s32 v2, v1;
	v2 =	vld [tilespmem:s19+$0x50]  }
0x156: {  	v7 =	vimm.s32 $0x0;
	v8 =	vsel vm2, $0x1, v0;
	vm2 =	vgt.s32 v4, v1;
	v4 =	vld [tilespmem:s19+$0x60]  }
0x157: {  	s17 =	simm.s32 $0x80;
	s18 =	simm.s32 $0x400;
	v7 =	vadd.s32 v8, v7;
	v8 =	vsel vm2, $0x1, v0;
	vm2 =	vgt.s32 v6, v1;
	v6 =	vld [tilespmem:s19+$0x70]  }
.LBB2_18:
0x158: {  	p0 =	sne.s32 s18, $0x1E00;
	v9 =	vld [tilespmem:s17+$0x0];
	v7 =	vadd.s32 v8, v7;
	v8 =	vsel vm2, $0x1, v0;
	vm2 =	vgt.s32 v5, v1  }
0x159: {  	v10 =	vld [tilespmem:s17+$0x10];
	v5 =	vadd.s32 v8, v7;
	v7 =	vsel vm2, $0x1, v0;
	vm2 =	vgt.s32 v3, v1  }
0x15a: {  	v11 =	vld [tilespmem:s17+$0x20];
	v3 =	vadd.s32 v7, v5;
	v7 =	vsel vm2, $0x1, v0;
	vm2 =	vgt.s32 v2, v1  }
.Ltmp10:
0x15b: {  	v5 =	vld [tilespmem:s17+$0x30];
	v2 =	vadd.s32 v7, v3;
	v7 =	vsel vm2, $0x1, v0;
	vm2 =	vgt.s32 v4, v1;
	(pc) =	sbr.rel @p0 .LBB2_18-.Ltmp10, $4  }
0x15c: {  	v3 =	vld [tilespmem:s17+$0x40];
	v4 =	vadd.s32 v7, v2;
	v7 =	vsel vm2, $0x1, v0;
	vm2 =	vgt.s32 v6, v1  }
0x15d: {  	vm3 =	vgt.s32 v9, v1;
	v2 =	vld [tilespmem:s17+$0x50];
	v6 =	vadd.s32 v7, v4;
	v7 =	vsel vm2, $0x1, v0  }
0x15e: {  	v8 =	vsel vm3, $0x1, v0;
	vm2 =	vgt.s32 v10, v1;
	v4 =	vld [tilespmem:s17+$0x60];
	v6 =	vadd.s32 v7, v6  }
0x15f: {  	v7 =	vadd.s32 v8, v6;
	v8 =	vsel vm2, $0x1, v0;
	vm2 =	vgt.s32 v11, v1;
	v6 =	vld [tilespmem:s17+$0x70];
	s17 =	sshra.s32 s18, $0x2;
	s18 =	sadd.s32 $0x200, s18  }
0x160: {  	v9 =	vld [tilespmem:s17+$0x0];
	v7 =	vadd.s32 v8, v7;
	v8 =	vsel vm2, $0x1, v0;
	vm2 =	vgt.s32 v5, v1  }
0x161: {  	v5 =	vld [tilespmem:s17+$0x10];
	v7 =	vadd.s32 v8, v7;
	v8 =	vsel vm2, $0x1, v0;
	vm2 =	vgt.s32 v3, v1  }
0x162: {  	v3 =	vld [tilespmem:s17+$0x20];
	v7 =	vadd.s32 v8, v7;
	v8 =	vsel vm2, $0x1, v0;
	vm2 =	vgt.s32 v2, v1  }
0x163: {  	v2 =	vld [tilespmem:s17+$0x30];
	v7 =	vadd.s32 v8, v7;
	v8 =	vsel vm2, $0x1, v0;
	vm2 =	vgt.s32 v4, v1  }
0x164: {  	v4 =	vld [tilespmem:s17+$0x40];
	v7 =	vadd.s32 v8, v7;
	v8 =	vsel vm2, $0x1, v0;
	vm2 =	vgt.s32 v6, v1  }
0x165: {  	v6 =	vld [tilespmem:s17+$0x50];
	vm3 =	vgt.s32 v9, v1;
	v7 =	vadd.s32 v8, v7;
	v8 =	vsel vm2, $0x1, v0  }
0x166: {  	vm2 =	vgt.s32 v5, v1;
	v5 =	vld [tilespmem:s17+$0x60];
	v9 =	vsel vm3, $0x1, v0;
	v7 =	vadd.s32 v8, v7  }
0x167: {  	v8 =	vsel vm2, $0x1, v0;
	vm2 =	vgt.s32 v3, v1;
	v3 =	vld [tilespmem:s17+$0x70];
	v7 =	vadd.s32 v9, v7  }
0x168: {  	v7 =	vadd.s32 v8, v7;
	v8 =	vsel vm2, $0x1, v0;
	vm2 =	vgt.s32 v2, v1  }
0x169: {  	v2 =	vadd.s32 v8, v7;
	v7 =	vsel vm2, $0x1, v0;
	vm2 =	vgt.s32 v4, v1  }
0x16a: {  	v2 =	vadd.s32 v7, v2;
	v4 =	vsel vm2, $0x1, v0;
	vm2 =	vgt.s32 v6, v1  }
0x16b: {  	v2 =	vadd.s32 v4, v2;
	v4 =	vsel vm2, $0x1, v0;
	vm2 =	vgt.s32 v5, v1  }
0x16c: {  	v2 =	vadd.s32 v4, v2;
	v4 =	vsel vm2, $0x1, v0;
	vm2 =	vgt.s32 v3, v1  }
0x16d: {  	v2 =	vadd.s32 v4, v2;
	v3 =	vsel vm2, $0x1, v0  }
0x16e: {  	v2 =	vadd.s32 v3, v2  }
0x16f: {  	(xrf0) =	vadd.scan.msk.s32 $0xffff, v2  }
0x170: {  	s20 =	simm.s32 $0x0  }
0x171: {  	v10 =	vld [tilespmem:s20+$0x0];
	_ =	sdelay $0x3  }
0x172: {  	v2, _, _ =	vpop (xrf0)  }
0x173: {  	s17 =	simm.s32 $0x10;
	vm2 =	veq.s32 v10, v1;
	(v2sf) =	vpush v2, $0xF  }
0x174: {  	s18 =	simm.s32 $0x20;
	v7 =	vld [tilespmem:s17+$0x0];
	v2 =	vsel vm2, $0x1, v0  }
0x175: {  	v4 =	vld [tilespmem:s18+$0x0];
	(xrf0) =	vadd.scan.msk.s32 $0xffff, v2;
	_ =	sdelay $0x3  }
0x176: {  	vm3 =	veq.s32 v7, v1  }
0x177: {  	vm4 =	veq.s32 v4, v1;
	v2 =	vsel vm3, $0x1, v0  }
0x178: {  	(xrf0) =	vadd.scan.msk.s32 $0xffff, v2;
	v2 =	vsel vm4, $0x1, v0;
	v6, _, _ =	vpop (xrf0)  }
0x179: {  	(xrf0) =	vadd.scan.msk.s32 $0xffff, v2;
	(v2sf) =	vpush v6, $0xF;
	_ =	sdelay $0x2  }
0x17a: {  	s19 =	simm.s32 $0x30  }
0x17b: {  	v3 =	vld [tilespmem:s19+$0x0]  }
0x17c: {  	vm2 =	vmmov vm2;
	v8, _, _ =	vpop (xrf0)  }
0x17d: {  	vm2 =	vmmov vm2;
	v9, _, _ =	vpop (xrf0);
	s21 =	spop (v2sf);
	(v2sf) =	vpush v8, $0xF  }
0x17e: {  	vm3 =	vmmov vm3;
	vm2 =	vmmov vm2;
	(v2sf) =	vpush v9, $0xF  }
0x17f: {  	vm5 =	vmmov vm2;
	vm2 =	vmmov vm3;
	s16 =	ssub.s32 s16, s21  }
0x180: {  	vm3 =	vmmov vm4;
	vm4 =	veq.s32 v3, v1;
	v2 =	vmov s16;
	s16 =	simm.s32 $0x40  }
0x181: {  	s31 =	simm.s32 $0x0;
	v11 =	vsel vm5, $0xFFFFFFFF, v0;
	v12 =	vsel vm4, $0x1, v0;
	v5 =	vld [tilespmem:s16+$0x0]  }
0x182: {  	v11 =	vadd.s32 s31, v11;
	(xrf0) =	vadd.scan.msk.s32 $0xffff, v12  }
0x183: {  	vm9 =	vgt.s32 v10, v1;
	v6 =	vadd.s32 v6, v11  }
0x184: {  	vm6 =	vmmov vm2;
	vm8 =	vmmov vm3;
	vm7 =	vlt.s32 v6, v2  }
0x185: {  	vm2 =	vmmov vm4;
	vm3 =	vmmov vm6;
	vm5 =	vmand vm5, vm7  }
0x186: {  	v11 =	vsel vm3, $0xFFFFFFFF, v0;
	s21 =	simm.s32 $0x50;
	vm6 =	vmor vm9, vm5;
	vm4 =	veq.s32 v5, v1;
	s22 =	spop (v2sf)  }
0x187: {  	s23 =	simm.s32 $0x180;
	v6 =	vld [tilespmem:s21+$0x0];
	vm5 =	vmmov vm8;
	v10 =	vnsel vm6, $0x0, v10;
	v12 =	vsel vm4, $0x1, v0;
	s22 =	sadd.s32 $0x0, s22  }
.LBB2_20:
0x188: {  	p0 =	sne.s32 s23, $0x1FC0;
	(xrf0) =	vadd.scan.msk.s32 $0xffff, v12;
	v12, _, _ =	vpop (xrf0);
	v11 =	vadd.s32 s22, v11;
	[tilespmem:s20+$0x800] =	vst v10;
	v13 =	vmov v3;
	s24 =	smov.u32 s23;
	s23 =	sadd.s32 $0x40, s23  }
.Ltmp11:
0x189: {  	v3 =	vmovc v5;
	s20 =	smov.u32 s17;
	s17 =	smov.u32 s18;
	(v2sf) =	vpush v12, $0xF;
	v10 =	vadd.s32 v8, v11;
	v8 =	vmovc v9;
	v9 =	vmov v12;
	(pc) =	sbr.rel @p0 .LBB2_20-.Ltmp11, $4  }
0x18a: {  	vm7 =	vmmov vm2;
	vm2 =	vmmov vm4;
	s18 =	smov.u32 s19;
	s19 =	smov.u32 s16;
	s16 =	smov.u32 s21;
	vm6 =	vlt.s32 v10, v2  }
0x18b: {  	vm8 =	vgt.s32 v7, v1;
	vm6 =	vmand vm3, vm6;
	vm3 =	vmmov vm5  }
0x18c: {  	s21 =	sshra.s32 s24, $0x2;
	vm5 =	vmmov vm7;
	vm4 =	veq.s32 v6, v1;
	vm6 =	vmor vm8, vm6;
	s24 =	spop (v2sf);
	v5 =	vmovc v6  }
0x18d: {  	v11 =	vsel vm3, $0xFFFFFFFF, v0;
	v6 =	vld [tilespmem:s21+$0x0];
	v12 =	vsel vm4, $0x1, v0;
	v10 =	vnsel vm6, $0x0, v7;
	s22 =	sadd.s32 s22, s24;
	v7 =	vmovc v4;
	v4 =	vmovc v13  }
0x18e: {  	(xrf0) =	vadd.scan.msk.s32 $0xffff, v12;
	_ =	sdelay $0x4  }
0x18f: {  	v54, _, _ =	vpop (xrf0)  }
0x190: {  	(v2sf) =	vpush v54, $0xF;
	vm6 =	veq.s32 v6, v1;
	v13, _, _ =	vpop (xrf0)  }
0x191: {  	v14 =	vsel vm6, $0x1, v0;
	(v2sf) =	vpush v13, $0xF  }
0x192: {  	(xrf0) =	vadd.scan.msk.s32 $0xffff, v14;
	_ =	sdelay $0x2  }
0x193: {  	v11 =	vadd.s32 s22, v11  }
0x194: {  	vm5 =	vmmov vm5;
	vm15 =	vgt.s32 v7, v1;
	vm2 =	vmmov vm2  }
0x195: {  	s23 =	spop (v2sf);
	vm10 =	vgt.s32 v4, v1;
	vm13 =	vgt.s32 v3, v1;
	v8 =	vadd.s32 v8, v11  }
0x196: {  	v55 =	vsel vm5, $0xFFFFFFFF, v0;
	s26 =	sadd.s32 s22, s23;
	vm2 =	vmmov vm2;
	vm7 =	vlt.s32 v8, v2;
	v56, _, _ =	vpop (xrf0)  }
0x197: {  	v8 =	vadd.s32 s26, v55;
	vm3 =	vmand vm3, vm7;
	(v2sf) =	vpush v56, $0xF  }
0x198: {  	vm2 =	vmmov vm2;
	v8 =	vadd.s32 v9, v8;
	vm3 =	vmor vm15, vm3  }
0x199: {  	v58 =	vsel vm2, $0xFFFFFFFF, v0;
	vm9 =	vlt.s32 v8, v2;
	v57 =	vnsel vm3, $0x0, v7  }
0x19a: {  	vm3 =	vmmov vm4;
	vm4 =	vmand vm5, vm9;
	vm6 =	vmmov vm6;
	s28 =	spop (v2sf)  }
0x19b: {  	vm3 =	vmmov vm3;
	vm4 =	vmor vm10, vm4;
	vm11 =	vmmov vm6;
	s22 =	sadd.s32 s26, s28  }
0x19c: {  	vm3 =	vmmov vm3;
	v59 =	vnsel vm4, $0x0, v4;
	v8 =	vadd.s32 s22, v58  }
0x19d: {  	vm4 =	vmmov vm11;
	vm3 =	vmmov vm3;
	v8 =	vadd.s32 v54, v8;
	s29 =	spop (v2sf)  }
0x19e: {  	vm4 =	vmmov vm4;
	v60 =	vsel vm3, $0xFFFFFFFF, v0;
	vm12 =	vlt.s32 v8, v2;
	s22 =	sadd.s32 s22, s29;
	s30 =	spop (v2sf)  }
0x19f: {  	v62 =	vsel vm4, $0xFFFFFFFF, v0;
	vm2 =	vmand vm2, vm12;
	v61 =	vadd.s32 s22, v60;
	s22 =	sadd.s32 s22, s30  }
0x1a0: {  	vm2 =	vmor vm13, vm2;
	v8 =	vadd.s32 v13, v61;
	v11 =	vadd.s32 s22, v62  }
0x1a1: {  	[tilespmem:s20+$0x800] =	vst v10;
	v3 =	vnsel vm2, $0x0, v3;
	vm2 =	vlt.s32 v8, v2;
	v63 =	vadd.s32 v56, v11  }
0x1a2: {  	vm14 =	vgt.s32 v5, v1;
	[tilespmem:s17+$0x800] =	vst v57;
	vm2 =	vmand vm3, vm2;
	vm3 =	vlt.s32 v63, v2  }
0x1a3: {  	vm15 =	vgt.s32 v6, v1;
	[tilespmem:s18+$0x800] =	vst v59;
	vm2 =	vmor vm14, vm2;
	vm3 =	vmand vm4, vm3  }
0x1a4: {  	s15 =	sadd.s32 $0x1, s15;
	[tilespmem:s19+$0x800] =	vst v3;
	v1 =	vnsel vm2, $0x0, v5;
	vm2 =	vmor vm15, vm3  }
0x1a5: {  	p0 =	sne.s32 s15, s9;
	[tilespmem:s16+$0x800] =	vst v1;
	v1 =	vnsel vm2, $0x0, v6  }
.Ltmp12:
0x1a6: {  	s31 =	spop (v2sf);
	[tilespmem:s21+$0x800] =	vst v1;
	(pc) =	sbr.rel @p0 .LBB2_1-.Ltmp12, $4  }
0x1a7: {  	[hbm4b:s8+s12] =	stream.strided.scatter [tilespmem:s14], [sflag:$0x1], $0x800, s13, s12, $0x38;
	[tilespmem:$0x1080] =	vst v63  }
0x1a8: {  	_ =	swait.ge [sflag:s11], $0x800  }
0x1a9: {  	[sflag:s11] =	ssyncset.done $0x0  }
0x1aa: {  	[sflag:s11] =	ssyncadd.s32 $0xFFFFF800  }
0x1ab: {  	_ =	sfence.sel $0x180000  }
0x1ac: {  	[bflag:$0x0] =	sbarrier.arrive $0xFFFF  }
0x1ad: {  	p0 =	sne.s32 s1, $0x0;
	_ =	strace $0x90000047  }
0x1ae: {  	s0 =	sadd.s32 @!p0 $0x100000, s0;
	[bflag:$0x2] =	sbarrier.arrive $0xFFFF  }
0x1af: {  	[sflag:s0] =	ssyncadd.tile.s32 @!p0 $0x1;
	_ =	shalt  }
.Lfunc_end2:
_tile_overlayer_lowered:
.L_overlay_start_2:
0x1b0: {  	(tag) =	ssettag $0x2  }
0x1b1: {  	s0 =	rddreg [dreg:$0x0];
	s2 =	stileid.u32  }
0x1b2: {  	s1 =	rddreg [dreg:$0x1];
	p0 =	sne.s32 s2, $0x0  }
0x1b3: {  	s3 =	rddreg [dreg:$0x2];
	[bflag:$0x3] =	sbarrier.arrive $0xFFFF;
	s2 =	simm.s32 @!p0 $0x1C01  }
0x1b4: {  	[timem:s3], [sflag:s2] =	dma.local @!p0 [hbm:s0], s1  }
0x1b5: {  	s0 =	simm.s32 @!p0 $0x1  }
0x1b6: {  	_ =	swait.ge @!p0 [sflag:s0], s1  }
0x1b7: {  	s1 =	ssub.s32 @!p0 $0x0, s1;
	[sflag:s0] =	ssyncset.done @!p0 $0x0  }
0x1b8: {  	[sflag:s0] =	ssyncadd.s32 @!p0 s1  }
0x1b9: {  	[bflag:$0x3] =	sbarrier.arrive $0xFFFF  }
0x1ba: {  	_ =	shalt  }

</sc_bundles>
